<compile_context>
chip_gen: v7x
topology: tpu7x:2x2x1
jax: 0.10.2.dev20260603
libtpu: 0.0.44.dev20260713+nightly
codegen_flags: <defaults>
</compile_context>

<pallas_src>
import functools

import jax
import jax.numpy as jnp
from jax import lax
from jax.experimental import pallas as pl
from jax.experimental.pallas import tpu as pltpu
from jax.experimental.pallas import tpu_sc as plsc

B, E, C = 4096, 16, 1000
_NC, _NS, _L = 2, 16, 16
NW = _NC * _NS
SPW = B // NW
ELEMS = SPW * E


def _sc_gather_body(table_hbm, tgt_hbm, out_hbm, tgt_v, idx_v, out_v,
                    sem0, sem1, osem):
    wid = lax.axis_index("s") * _NC + lax.axis_index("c")
    pltpu.sync_copy(tgt_hbm.at[pl.ds(wid * SPW, SPW)], tgt_v)
    iota = lax.iota(jnp.int32, _L)
    base = wid * 1024 + iota
    tparts = []
    for i in range(SPW // _L):
        t16 = tgt_v[pl.ds(i * _L, _L)]
        tparts.append((t16 >> 3) * 32768 + (t16 & 7) * 128 + (base + i * _L))
    copies = []
    for e in range(E):
        for i in range(SPW // _L):
            idx_v[pl.ds(e * 128 + i * _L, _L)] = tparts[i] + e * (B * C)
        if e % 8 == 7:
            h = e // 8
            copies.append(
                pltpu.async_copy(table_hbm.at[idx_v.at[pl.ds(h * 1024, 1024)]],
                                 out_v.at[pl.ds(h * 1024, 1024)],
                                 sem0 if h == 0 else sem1))
    copies[0].wait()
    o1 = pltpu.async_copy(out_v.at[pl.ds(0, 1024)],
                          out_hbm.at[pl.ds(wid * 1024, 1024)], osem)
    copies[1].wait()
    o2 = pltpu.async_copy(out_v.at[pl.ds(1024, 1024)],
                          out_hbm.at[pl.ds(B * 8 + wid * 1024, 1024)], osem)
    o1.wait()
    o2.wait()


_sc_gather = functools.partial(
    pl.kernel,
    mesh=plsc.VectorSubcoreMesh(core_axis_name="c", subcore_axis_name="s"),
    out_type=jax.ShapeDtypeStruct((B * E,), jnp.float32),
    scratch_types=[
        pltpu.VMEM((SPW,), jnp.int32),
        pltpu.VMEM((ELEMS,), jnp.int32),
        pltpu.VMEM((ELEMS,), jnp.float32),
        pltpu.SemaphoreType.DMA,
        pltpu.SemaphoreType.DMA,
        pltpu.SemaphoreType.DMA,
    ],
    compiler_params=pltpu.CompilerParams(needs_layout_passes=False),
)(_sc_gather_body)


def _tc_loss_body(g_ref, gate_ref, o_ref):
    e_logp = jnp.log(g_ref[...] + 1e-15)
    o_ref[0, 0] = jnp.sum(jnp.abs(gate_ref[...] - e_logp)) * (1.0 / B)


def kernel(outputs, expert_outputs, gate_outputs, targets):
    table = (expert_outputs.transpose(1, 2, 0)
             .reshape(E, C // 8, 8, B // 128, 128)
             .transpose(0, 1, 3, 2, 4)
             .reshape(B * E * C))
    gathered = _sc_gather(table, targets.astype(jnp.int32))
    gate_phys = (gate_outputs.T
                 .reshape(2, 8, B // 128, 128)
                 .transpose(0, 2, 1, 3)
                 .reshape(B * E // 128, 128))
    loss = pl.pallas_call(
        _tc_loss_body,
        out_shape=jax.ShapeDtypeStruct((1, 1), jnp.float32),
        out_specs=pl.BlockSpec(memory_space=pltpu.SMEM),
    )(gathered.reshape(B * E // 128, 128), gate_phys)
    return loss[0, 0]

# --- scband reference (transcript-rebuilt; emitter-appended) ---
"""Pipeline reference for scband-expert-entropy-loss-79680233275420 (READ-ONLY COPY).

The authoritative reference and input builder live on the scoring server;
editing this copy changes nothing except your own understanding.
"""

import jax, jax.numpy as jnp
import numpy as np


def setup_inputs(seed: int = 0) -> dict:
    key = jax.random.key(seed)
    k0, k1, k2, k3 = jax.random.split(key, 4)
    B, E, C = 4096, 16, 1000
    outputs = jax.random.uniform(k0, (B, C), dtype=jnp.float32)
    expert_outputs = jax.random.uniform(k1, (B, E, C), dtype=jnp.float32)
    gate_outputs = jax.random.normal(k2, (B, E), dtype=jnp.float32)
    targets = jax.random.randint(k3, (B,), 0, C, dtype=jnp.int64)
    return {"outputs": outputs, "expert_outputs": expert_outputs, "gate_outputs": gate_outputs, "targets": targets}


def reference(outputs, expert_outputs, gate_outputs, targets):
    eps = 1e-15
    B = expert_outputs.shape[0]
    # expert_outputs[arange(B), :, targets] -> [B, E] gather of the target-class
    # probability from every expert for each sample.
    expected_expert_outputs = expert_outputs[jnp.arange(B), :, targets]
    e_logp = jnp.log(expected_expert_outputs + eps)
    gate_loss = jnp.sum(jnp.mean(jnp.abs(gate_outputs - e_logp), axis=0))
    return gate_loss

if __name__ == "__main__":
    import jax
    _d = setup_inputs()
    print(jax.jit(kernel)(*tuple(_d.values())))

</pallas_src>

<mosaic_0001>
#map = affine_map<(d0, d1) -> (0)>
module attributes {stable_mosaic.version = 14 : i64} {
  func.func @_sc_gather_body(%arg0: i32, %arg1: i32, %arg2: memref<65536000xf32, #tpu.memory_space<hbm>>, %arg3: memref<4096xi32, #tpu.memory_space<hbm>>, %arg4: memref<65536xf32, #tpu.memory_space<hbm>>, %arg5: memref<128xi32, #tpu.memory_space<vmem>>, %arg6: memref<2048xi32, #tpu.memory_space<vmem>>, %arg7: memref<2048xf32, #tpu.memory_space<vmem>>, %arg8: memref<!tpu.dma_semaphore, #tpu.memory_space<semaphore_mem>>, %arg9: memref<!tpu.dma_semaphore, #tpu.memory_space<semaphore_mem>>, %arg10: memref<!tpu.dma_semaphore, #tpu.memory_space<semaphore_mem>>) attributes {dimension_semantics = [#tpu.dimension_semantics<core_parallel>, #tpu.dimension_semantics<subcore_parallel>], iteration_bounds = array<i64: 2, 16>, scalar_prefetch = 0 : i64, scratch_operands = 6 : i64, tpu.core_type = #tpu.core_type<sc_vector_subcore>, window_params = [{transform_indices = #map}, {transform_indices = #map}, {transform_indices = #map}]} {
    %mul3A = arith.constant 2 : i32
    %mul3A_0 = arith.muli %arg1, %mul3A : i32
    %add3A = arith.addi %mul3A_0, %arg0 : i32
    %mul3A_1 = arith.constant 128 : i32
    %mul3A_2 = arith.muli %add3A, %mul3A_1 : i32
    "tpu.region"() ({
      %run_scoped3A = tpu.sem_alloc : memref<!tpu.dma_semaphore, #tpu.memory_space<semaphore_mem>>
      %dma_start3A_847 = tpu.memref_slice %arg3[%mul3A_2] : memref<4096xi32, #tpu.memory_space<hbm>> -> memref<128xi32, #tpu.memory_space<hbm>>
      %dma_start3A_848 = tpu.memref_slice %arg3[%mul3A_2] : memref<4096xi32, #tpu.memory_space<hbm>> -> memref<128xi32, #tpu.memory_space<hbm>>
      tpu.enqueue_dma source(%dma_start3A_848 : memref<128xi32, #tpu.memory_space<hbm>>) target(%arg5 : memref<128xi32, #tpu.memory_space<vmem>>) target_semaphore(%run_scoped3A : memref<!tpu.dma_semaphore, #tpu.memory_space<semaphore_mem>>)
      %dma_wait3A_849 = tpu.memref_slice %arg3[%mul3A_2] : memref<4096xi32, #tpu.memory_space<hbm>> -> memref<128xi32, #tpu.memory_space<hbm>>
      %dma_wait3A_850 = tpu.memref_slice %arg3[%mul3A_2] : memref<4096xi32, #tpu.memory_space<hbm>> -> memref<128xi32, #tpu.memory_space<hbm>>
      tpu.wait_dma2 semaphore(%run_scoped3A : memref<!tpu.dma_semaphore, #tpu.memory_space<semaphore_mem>>) src(%dma_wait3A_850 : memref<128xi32, #tpu.memory_space<hbm>>) dst(%arg5 : memref<128xi32, #tpu.memory_space<vmem>>)
      tpu.yield
    }) : () -> ()
    %iota3A = tpu.iota {dimensions = array<i32: 0>} : vector<16xi32>
    %mul3A_3 = arith.constant 1024 : i32
    %mul3A_4 = arith.muli %add3A, %mul3A_3 : i32
    %add3A_5 = vector.broadcast %mul3A_4 : i32 to vector<16xi32>
    %add3A_6 = arith.addi %add3A_5, %iota3A : vector<16xi32>
    %get3A = arith.constant 0 : index
    %get3A_7 = tpu.vector_load %arg5[%get3A] {strides = array<i32>} : memref<128xi32, #tpu.memory_space<vmem>>, vector<16xi32>,
    %shift_right_arithmetic3A = arith.constant 3 : i32
    %shift_right_arithmetic3A_8 = vector.broadcast %shift_right_arithmetic3A : i32 to vector<16xi32>
    %shift_right_arithmetic3A_9 = arith.shrsi %get3A_7, %shift_right_arithmetic3A_8 : vector<16xi32>
    %mul3A_10 = arith.constant 32768 : i32
    %mul3A_11 = vector.broadcast %mul3A_10 : i32 to vector<16xi32>
    %mul3A_12 = arith.muli %shift_right_arithmetic3A_9, %mul3A_11 : vector<16xi32>
    %and3A = arith.constant 7 : i32
    %and3A_13 = vector.broadcast %and3A : i32 to vector<16xi32>
    %and3A_14 = arith.andi %get3A_7, %and3A_13 : vector<16xi32>
    %mul3A_15 = arith.constant 128 : i32
    %mul3A_16 = vector.broadcast %mul3A_15 : i32 to vector<16xi32>
    %mul3A_17 = arith.muli %and3A_14, %mul3A_16 : vector<16xi32>
    %add3A_18 = arith.addi %mul3A_12, %mul3A_17 : vector<16xi32>
    %add3A_19 = arith.constant 0 : i32
    %add3A_20 = vector.broadcast %add3A_19 : i32 to vector<16xi32>
    %add3A_21 = arith.addi %add3A_6, %add3A_20 : vector<16xi32>
    %add3A_22 = arith.addi %add3A_18, %add3A_21 : vector<16xi32>
    %get3A_23 = arith.constant 16 : index
    %get3A_24 = tpu.vector_load %arg5[%get3A_23] {strides = array<i32>} : memref<128xi32, #tpu.memory_space<vmem>>, vector<16xi32>,
    %shift_right_arithmetic3A_25 = arith.constant 3 : i32
    %shift_right_arithmetic3A_26 = vector.broadcast %shift_right_arithmetic3A_25 : i32 to vector<16xi32>
    %shift_right_arithmetic3A_27 = arith.shrsi %get3A_24, %shift_right_arithmetic3A_26 : vector<16xi32>
    %mul3A_28 = arith.constant 32768 : i32
    %mul3A_29 = vector.broadcast %mul3A_28 : i32 to vector<16xi32>
    %mul3A_30 = arith.muli %shift_right_arithmetic3A_27, %mul3A_29 : vector<16xi32>
    %and3A_31 = arith.constant 7 : i32
    %and3A_32 = vector.broadcast %and3A_31 : i32 to vector<16xi32>
    %and3A_33 = arith.andi %get3A_24, %and3A_32 : vector<16xi32>
    %mul3A_34 = arith.constant 128 : i32
    %mul3A_35 = vector.broadcast %mul3A_34 : i32 to vector<16xi32>
    %mul3A_36 = arith.muli %and3A_33, %mul3A_35 : vector<16xi32>
    %add3A_37 = arith.addi %mul3A_30, %mul3A_36 : vector<16xi32>
    %add3A_38 = arith.constant 16 : i32
    %add3A_39 = vector.broadcast %add3A_38 : i32 to vector<16xi32>
    %add3A_40 = arith.addi %add3A_6, %add3A_39 : vector<16xi32>
    %add3A_41 = arith.addi %add3A_37, %add3A_40 : vector<16xi32>
    %get3A_42 = arith.constant 32 : index
    %get3A_43 = tpu.vector_load %arg5[%get3A_42] {strides = array<i32>} : memref<128xi32, #tpu.memory_space<vmem>>, vector<16xi32>,
    %shift_right_arithmetic3A_44 = arith.constant 3 : i32
    %shift_right_arithmetic3A_45 = vector.broadcast %shift_right_arithmetic3A_44 : i32 to vector<16xi32>
    %shift_right_arithmetic3A_46 = arith.shrsi %get3A_43, %shift_right_arithmetic3A_45 : vector<16xi32>
    %mul3A_47 = arith.constant 32768 : i32
    %mul3A_48 = vector.broadcast %mul3A_47 : i32 to vector<16xi32>
    %mul3A_49 = arith.muli %shift_right_arithmetic3A_46, %mul3A_48 : vector<16xi32>
    %and3A_50 = arith.constant 7 : i32
    %and3A_51 = vector.broadcast %and3A_50 : i32 to vector<16xi32>
    %and3A_52 = arith.andi %get3A_43, %and3A_51 : vector<16xi32>
    %mul3A_53 = arith.constant 128 : i32
    %mul3A_54 = vector.broadcast %mul3A_53 : i32 to vector<16xi32>
    %mul3A_55 = arith.muli %and3A_52, %mul3A_54 : vector<16xi32>
    %add3A_56 = arith.addi %mul3A_49, %mul3A_55 : vector<16xi32>
    %add3A_57 = arith.constant 32 : i32
    %add3A_58 = vector.broadcast %add3A_57 : i32 to vector<16xi32>
    %add3A_59 = arith.addi %add3A_6, %add3A_58 : vector<16xi32>
    %add3A_60 = arith.addi %add3A_56, %add3A_59 : vector<16xi32>
    %get3A_61 = arith.constant 48 : index
    %get3A_62 = tpu.vector_load %arg5[%get3A_61] {strides = array<i32>} : memref<128xi32, #tpu.memory_space<vmem>>, vector<16xi32>,
    %shift_right_arithmetic3A_63 = arith.constant 3 : i32
    %shift_right_arithmetic3A_64 = vector.broadcast %shift_right_arithmetic3A_63 : i32 to vector<16xi32>
    %shift_right_arithmetic3A_65 = arith.shrsi %get3A_62, %shift_right_arithmetic3A_64 : vector<16xi32>
    %mul3A_66 = arith.constant 32768 : i32
    %mul3A_67 = vector.broadcast %mul3A_66 : i32 to vector<16xi32>
    %mul3A_68 = arith.muli %shift_right_arithmetic3A_65, %mul3A_67 : vector<16xi32>
    %and3A_69 = arith.constant 7 : i32
    %and3A_70 = vector.broadcast %and3A_69 : i32 to vector<16xi32>
    %and3A_71 = arith.andi %get3A_62, %and3A_70 : vector<16xi32>
    %mul3A_72 = arith.constant 128 : i32
    %mul3A_73 = vector.broadcast %mul3A_72 : i32 to vector<16xi32>
    %mul3A_74 = arith.muli %and3A_71, %mul3A_73 : vector<16xi32>
    %add3A_75 = arith.addi %mul3A_68, %mul3A_74 : vector<16xi32>
    %add3A_76 = arith.constant 48 : i32
    %add3A_77 = vector.broadcast %add3A_76 : i32 to vector<16xi32>
    %add3A_78 = arith.addi %add3A_6, %add3A_77 : vector<16xi32>
    %add3A_79 = arith.addi %add3A_75, %add3A_78 : vector<16xi32>
    %get3A_80 = arith.constant 64 : index
    %get3A_81 = tpu.vector_load %arg5[%get3A_80] {strides = array<i32>} : memref<128xi32, #tpu.memory_space<vmem>>, vector<16xi32>,
    %shift_right_arithmetic3A_82 = arith.constant 3 : i32
    %shift_right_arithmetic3A_83 = vector.broadcast %shift_right_arithmetic3A_82 : i32 to vector<16xi32>
    %shift_right_arithmetic3A_84 = arith.shrsi %get3A_81, %shift_right_arithmetic3A_83 : vector<16xi32>
    %mul3A_85 = arith.constant 32768 : i32
    %mul3A_86 = vector.broadcast %mul3A_85 : i32 to vector<16xi32>
    %mul3A_87 = arith.muli %shift_right_arithmetic3A_84, %mul3A_86 : vector<16xi32>
    %and3A_88 = arith.constant 7 : i32
    %and3A_89 = vector.broadcast %and3A_88 : i32 to vector<16xi32>
    %and3A_90 = arith.andi %get3A_81, %and3A_89 : vector<16xi32>
    %mul3A_91 = arith.constant 128 : i32
    %mul3A_92 = vector.broadcast %mul3A_91 : i32 to vector<16xi32>
    %mul3A_93 = arith.muli %and3A_90, %mul3A_92 : vector<16xi32>
    %add3A_94 = arith.addi %mul3A_87, %mul3A_93 : vector<16xi32>
    %add3A_95 = arith.constant 64 : i32
    %add3A_96 = vector.broadcast %add3A_95 : i32 to vector<16xi32>
    %add3A_97 = arith.addi %add3A_6, %add3A_96 : vector<16xi32>
    %add3A_98 = arith.addi %add3A_94, %add3A_97 : vector<16xi32>
    %get3A_99 = arith.constant 80 : index
    %get3A_100 = tpu.vector_load %arg5[%get3A_99] {strides = array<i32>} : memref<128xi32, #tpu.memory_space<vmem>>, vector<16xi32>,
    %shift_right_arithmetic3A_101 = arith.constant 3 : i32
    %shift_right_arithmetic3A_102 = vector.broadcast %shift_right_arithmetic3A_101 : i32 to vector<16xi32>
    %shift_right_arithmetic3A_103 = arith.shrsi %get3A_100, %shift_right_arithmetic3A_102 : vector<16xi32>
    %mul3A_104 = arith.constant 32768 : i32
    %mul3A_105 = vector.broadcast %mul3A_104 : i32 to vector<16xi32>
    %mul3A_106 = arith.muli %shift_right_arithmetic3A_103, %mul3A_105 : vector<16xi32>
    %and3A_107 = arith.constant 7 : i32
    %and3A_108 = vector.broadcast %and3A_107 : i32 to vector<16xi32>
    %and3A_109 = arith.andi %get3A_100, %and3A_108 : vector<16xi32>
    %mul3A_110 = arith.constant 128 : i32
    %mul3A_111 = vector.broadcast %mul3A_110 : i32 to vector<16xi32>
    %mul3A_112 = arith.muli %and3A_109, %mul3A_111 : vector<16xi32>
    %add3A_113 = arith.addi %mul3A_106, %mul3A_112 : vector<16xi32>
    %add3A_114 = arith.constant 80 : i32
    %add3A_115 = vector.broadcast %add3A_114 : i32 to vector<16xi32>
    %add3A_116 = arith.addi %add3A_6, %add3A_115 : vector<16xi32>
    %add3A_117 = arith.addi %add3A_113, %add3A_116 : vector<16xi32>
    %get3A_118 = arith.constant 96 : index
    %get3A_119 = tpu.vector_load %arg5[%get3A_118] {strides = array<i32>} : memref<128xi32, #tpu.memory_space<vmem>>, vector<16xi32>,
    %shift_right_arithmetic3A_120 = arith.constant 3 : i32
    %shift_right_arithmetic3A_121 = vector.broadcast %shift_right_arithmetic3A_120 : i32 to vector<16xi32>
    %shift_right_arithmetic3A_122 = arith.shrsi %get3A_119, %shift_right_arithmetic3A_121 : vector<16xi32>
    %mul3A_123 = arith.constant 32768 : i32
    %mul3A_124 = vector.broadcast %mul3A_123 : i32 to vector<16xi32>
    %mul3A_125 = arith.muli %shift_right_arithmetic3A_122, %mul3A_124 : vector<16xi32>
    %and3A_126 = arith.constant 7 : i32
    %and3A_127 = vector.broadcast %and3A_126 : i32 to vector<16xi32>
    %and3A_128 = arith.andi %get3A_119, %and3A_127 : vector<16xi32>
    %mul3A_129 = arith.constant 128 : i32
    %mul3A_130 = vector.broadcast %mul3A_129 : i32 to vector<16xi32>
    %mul3A_131 = arith.muli %and3A_128, %mul3A_130 : vector<16xi32>
    %add3A_132 = arith.addi %mul3A_125, %mul3A_131 : vector<16xi32>
    %add3A_133 = arith.constant 96 : i32
    %add3A_134 = vector.broadcast %add3A_133 : i32 to vector<16xi32>
    %add3A_135 = arith.addi %add3A_6, %add3A_134 : vector<16xi32>
    %add3A_136 = arith.addi %add3A_132, %add3A_135 : vector<16xi32>
    %get3A_137 = arith.constant 112 : index
    %get3A_138 = tpu.vector_load %arg5[%get3A_137] {strides = array<i32>} : memref<128xi32, #tpu.memory_space<vmem>>, vector<16xi32>,
    %shift_right_arithmetic3A_139 = arith.constant 3 : i32
    %shift_right_arithmetic3A_140 = vector.broadcast %shift_right_arithmetic3A_139 : i32 to vector<16xi32>
    %shift_right_arithmetic3A_141 = arith.shrsi %get3A_138, %shift_right_arithmetic3A_140 : vector<16xi32>
    %mul3A_142 = arith.constant 32768 : i32
    %mul3A_143 = vector.broadcast %mul3A_142 : i32 to vector<16xi32>
    %mul3A_144 = arith.muli %shift_right_arithmetic3A_141, %mul3A_143 : vector<16xi32>
    %and3A_145 = arith.constant 7 : i32
    %and3A_146 = vector.broadcast %and3A_145 : i32 to vector<16xi32>
    %and3A_147 = arith.andi %get3A_138, %and3A_146 : vector<16xi32>
    %mul3A_148 = arith.constant 128 : i32
    %mul3A_149 = vector.broadcast %mul3A_148 : i32 to vector<16xi32>
    %mul3A_150 = arith.muli %and3A_147, %mul3A_149 : vector<16xi32>
    %add3A_151 = arith.addi %mul3A_144, %mul3A_150 : vector<16xi32>
    %add3A_152 = arith.constant 112 : i32
    %add3A_153 = vector.broadcast %add3A_152 : i32 to vector<16xi32>
    %add3A_154 = arith.addi %add3A_6, %add3A_153 : vector<16xi32>
    %add3A_155 = arith.addi %add3A_151, %add3A_154 : vector<16xi32>
    %add3A_156 = arith.constant 0 : i32
    %add3A_157 = vector.broadcast %add3A_156 : i32 to vector<16xi32>
    %add3A_158 = arith.addi %add3A_22, %add3A_157 : vector<16xi32>
    %swap3A = arith.constant 0 : index
    %swap3A_159 = tpu.vector_load %arg6[%swap3A] {strides = array<i32>} : memref<2048xi32, #tpu.memory_space<vmem>>, vector<16xi32>,
    tpu.vector_store %arg6[%swap3A], %add3A_158 {strides = array<i32>} : memref<2048xi32, #tpu.memory_space<vmem>>, vector<16xi32>,
    %add3A_160 = arith.constant 0 : i32
    %add3A_161 = vector.broadcast %add3A_160 : i32 to vector<16xi32>
    %add3A_162 = arith.addi %add3A_41, %add3A_161 : vector<16xi32>
    %swap3A_163 = arith.constant 16 : index
    %swap3A_164 = tpu.vector_load %arg6[%swap3A_163] {strides = array<i32>} : memref<2048xi32, #tpu.memory_space<vmem>>, vector<16xi32>,
    tpu.vector_store %arg6[%swap3A_163], %add3A_162 {strides = array<i32>} : memref<2048xi32, #tpu.memory_space<vmem>>, vector<16xi32>,
    %add3A_165 = arith.constant 0 : i32
    %add3A_166 = vector.broadcast %add3A_165 : i32 to vector<16xi32>
    %add3A_167 = arith.addi %add3A_60, %add3A_166 : vector<16xi32>
    %swap3A_168 = arith.constant 32 : index
    %swap3A_169 = tpu.vector_load %arg6[%swap3A_168] {strides = array<i32>} : memref<2048xi32, #tpu.memory_space<vmem>>, vector<16xi32>,
    tpu.vector_store %arg6[%swap3A_168], %add3A_167 {strides = array<i32>} : memref<2048xi32, #tpu.memory_space<vmem>>, vector<16xi32>,
    %add3A_170 = arith.constant 0 : i32
    %add3A_171 = vector.broadcast %add3A_170 : i32 to vector<16xi32>
    %add3A_172 = arith.addi %add3A_79, %add3A_171 : vector<16xi32>
    %swap3A_173 = arith.constant 48 : index
    %swap3A_174 = tpu.vector_load %arg6[%swap3A_173] {strides = array<i32>} : memref<2048xi32, #tpu.memory_space<vmem>>, vector<16xi32>,
    tpu.vector_store %arg6[%swap3A_173], %add3A_172 {strides = array<i32>} : memref<2048xi32, #tpu.memory_space<vmem>>, vector<16xi32>,
    %add3A_175 = arith.constant 0 : i32
    %add3A_176 = vector.broadcast %add3A_175 : i32 to vector<16xi32>
    %add3A_177 = arith.addi %add3A_98, %add3A_176 : vector<16xi32>
    %swap3A_178 = arith.constant 64 : index
    %swap3A_179 = tpu.vector_load %arg6[%swap3A_178] {strides = array<i32>} : memref<2048xi32, #tpu.memory_space<vmem>>, vector<16xi32>,
    tpu.vector_store %arg6[%swap3A_178], %add3A_177 {strides = array<i32>} : memref<2048xi32, #tpu.memory_space<vmem>>, vector<16xi32>,
    %add3A_180 = arith.constant 0 : i32
    %add3A_181 = vector.broadcast %add3A_180 : i32 to vector<16xi32>
    %add3A_182 = arith.addi %add3A_117, %add3A_181 : vector<16xi32>
    %swap3A_183 = arith.constant 80 : index
    %swap3A_184 = tpu.vector_load %arg6[%swap3A_183] {strides = array<i32>} : memref<2048xi32, #tpu.memory_space<vmem>>, vector<16xi32>,
    tpu.vector_store %arg6[%swap3A_183], %add3A_182 {strides = array<i32>} : memref<2048xi32, #tpu.memory_space<vmem>>, vector<16xi32>,
    %add3A_185 = arith.constant 0 : i32
    %add3A_186 = vector.broadcast %add3A_185 : i32 to vector<16xi32>
    %add3A_187 = arith.addi %add3A_136, %add3A_186 : vector<16xi32>
    %swap3A_188 = arith.constant 96 : index
    %swap3A_189 = tpu.vector_load %arg6[%swap3A_188] {strides = array<i32>} : memref<2048xi32, #tpu.memory_space<vmem>>, vector<16xi32>,
    tpu.vector_store %arg6[%swap3A_188], %add3A_187 {strides = array<i32>} : memref<2048xi32, #tpu.memory_space<vmem>>, vector<16xi32>,
    %add3A_190 = arith.constant 0 : i32
    %add3A_191 = vector.broadcast %add3A_190 : i32 to vector<16xi32>
    %add3A_192 = arith.addi %add3A_155, %add3A_191 : vector<16xi32>
    %swap3A_193 = arith.constant 112 : index
    %swap3A_194 = tpu.vector_load %arg6[%swap3A_193] {strides = array<i32>} : memref<2048xi32, #tpu.memory_space<vmem>>, vector<16xi32>,
    tpu.vector_store %arg6[%swap3A_193], %add3A_192 {strides = array<i32>} : memref<2048xi32, #tpu.memory_space<vmem>>, vector<16xi32>,
    %add3A_195 = arith.constant 4096000 : i32
    %add3A_196 = vector.broadcast %add3A_195 : i32 to vector<16xi32>
    %add3A_197 = arith.addi %add3A_22, %add3A_196 : vector<16xi32>
    %swap3A_198 = arith.constant 128 : index
    %swap3A_199 = tpu.vector_load %arg6[%swap3A_198] {strides = array<i32>} : memref<2048xi32, #tpu.memory_space<vmem>>, vector<16xi32>,
    tpu.vector_store %arg6[%swap3A_198], %add3A_197 {strides = array<i32>} : memref<2048xi32, #tpu.memory_space<vmem>>, vector<16xi32>,
    %add3A_200 = arith.constant 4096000 : i32
    %add3A_201 = vector.broadcast %add3A_200 : i32 to vector<16xi32>
    %add3A_202 = arith.addi %add3A_41, %add3A_201 : vector<16xi32>
    %swap3A_203 = arith.constant 144 : index
    %swap3A_204 = tpu.vector_load %arg6[%swap3A_203] {strides = array<i32>} : memref<2048xi32, #tpu.memory_space<vmem>>, vector<16xi32>,
    tpu.vector_store %arg6[%swap3A_203], %add3A_202 {strides = array<i32>} : memref<2048xi32, #tpu.memory_space<vmem>>, vector<16xi32>,
    %add3A_205 = arith.constant 4096000 : i32
    %add3A_206 = vector.broadcast %add3A_205 : i32 to vector<16xi32>
    %add3A_207 = arith.addi %add3A_60, %add3A_206 : vector<16xi32>
    %swap3A_208 = arith.constant 160 : index
    %swap3A_209 = tpu.vector_load %arg6[%swap3A_208] {strides = array<i32>} : memref<2048xi32, #tpu.memory_space<vmem>>, vector<16xi32>,
    tpu.vector_store %arg6[%swap3A_208], %add3A_207 {strides = array<i32>} : memref<2048xi32, #tpu.memory_space<vmem>>, vector<16xi32>,
    %add3A_210 = arith.constant 4096000 : i32
    %add3A_211 = vector.broadcast %add3A_210 : i32 to vector<16xi32>
    %add3A_212 = arith.addi %add3A_79, %add3A_211 : vector<16xi32>
    %swap3A_213 = arith.constant 176 : index
    %swap3A_214 = tpu.vector_load %arg6[%swap3A_213] {strides = array<i32>} : memref<2048xi32, #tpu.memory_space<vmem>>, vector<16xi32>,
    tpu.vector_store %arg6[%swap3A_213], %add3A_212 {strides = array<i32>} : memref<2048xi32, #tpu.memory_space<vmem>>, vector<16xi32>,
    %add3A_215 = arith.constant 4096000 : i32
    %add3A_216 = vector.broadcast %add3A_215 : i32 to vector<16xi32>
    %add3A_217 = arith.addi %add3A_98, %add3A_216 : vector<16xi32>
    %swap3A_218 = arith.constant 192 : index
    %swap3A_219 = tpu.vector_load %arg6[%swap3A_218] {strides = array<i32>} : memref<2048xi32, #tpu.memory_space<vmem>>, vector<16xi32>,
    tpu.vector_store %arg6[%swap3A_218], %add3A_217 {strides = array<i32>} : memref<2048xi32, #tpu.memory_space<vmem>>, vector<16xi32>,
    %add3A_220 = arith.constant 4096000 : i32
    %add3A_221 = vector.broadcast %add3A_220 : i32 to vector<16xi32>
    %add3A_222 = arith.addi %add3A_117, %add3A_221 : vector<16xi32>
    %swap3A_223 = arith.constant 208 : index
    %swap3A_224 = tpu.vector_load %arg6[%swap3A_223] {strides = array<i32>} : memref<2048xi32, #tpu.memory_space<vmem>>, vector<16xi32>,
    tpu.vector_store %arg6[%swap3A_223], %add3A_222 {strides = array<i32>} : memref<2048xi32, #tpu.memory_space<vmem>>, vector<16xi32>,
    %add3A_225 = arith.constant 4096000 : i32
    %add3A_226 = vector.broadcast %add3A_225 : i32 to vector<16xi32>
    %add3A_227 = arith.addi %add3A_136, %add3A_226 : vector<16xi32>
    %swap3A_228 = arith.constant 224 : index
    %swap3A_229 = tpu.vector_load %arg6[%swap3A_228] {strides = array<i32>} : memref<2048xi32, #tpu.memory_space<vmem>>, vector<16xi32>,
    tpu.vector_store %arg6[%swap3A_228], %add3A_227 {strides = array<i32>} : memref<2048xi32, #tpu.memory_space<vmem>>, vector<16xi32>,
    %add3A_230 = arith.constant 4096000 : i32
    %add3A_231 = vector.broadcast %add3A_230 : i32 to vector<16xi32>
    %add3A_232 = arith.addi %add3A_155, %add3A_231 : vector<16xi32>
    %swap3A_233 = arith.constant 240 : index
    %swap3A_234 = tpu.vector_load %arg6[%swap3A_233] {strides = array<i32>} : memref<2048xi32, #tpu.memory_space<vmem>>, vector<16xi32>,
    tpu.vector_store %arg6[%swap3A_233], %add3A_232 {strides = array<i32>} : memref<2048xi32, #tpu.memory_space<vmem>>, vector<16xi32>,
    %add3A_235 = arith.constant 8192000 : i32
    %add3A_236 = vector.broadcast %add3A_235 : i32 to vector<16xi32>
    %add3A_237 = arith.addi %add3A_22, %add3A_236 : vector<16xi32>
    %swap3A_238 = arith.constant 256 : index
    %swap3A_239 = tpu.vector_load %arg6[%swap3A_238] {strides = array<i32>} : memref<2048xi32, #tpu.memory_space<vmem>>, vector<16xi32>,
    tpu.vector_store %arg6[%swap3A_238], %add3A_237 {strides = array<i32>} : memref<2048xi32, #tpu.memory_space<vmem>>, vector<16xi32>,
    %add3A_240 = arith.constant 8192000 : i32
    %add3A_241 = vector.broadcast %add3A_240 : i32 to vector<16xi32>
    %add3A_242 = arith.addi %add3A_41, %add3A_241 : vector<16xi32>
    %swap3A_243 = arith.constant 272 : index
    %swap3A_244 = tpu.vector_load %arg6[%swap3A_243] {strides = array<i32>} : memref<2048xi32, #tpu.memory_space<vmem>>, vector<16xi32>,
    tpu.vector_store %arg6[%swap3A_243], %add3A_242 {strides = array<i32>} : memref<2048xi32, #tpu.memory_space<vmem>>, vector<16xi32>,
    %add3A_245 = arith.constant 8192000 : i32
    %add3A_246 = vector.broadcast %add3A_245 : i32 to vector<16xi32>
    %add3A_247 = arith.addi %add3A_60, %add3A_246 : vector<16xi32>
    %swap3A_248 = arith.constant 288 : index
    %swap3A_249 = tpu.vector_load %arg6[%swap3A_248] {strides = array<i32>} : memref<2048xi32, #tpu.memory_space<vmem>>, vector<16xi32>,
    tpu.vector_store %arg6[%swap3A_248], %add3A_247 {strides = array<i32>} : memref<2048xi32, #tpu.memory_space<vmem>>, vector<16xi32>,
    %add3A_250 = arith.constant 8192000 : i32
    %add3A_251 = vector.broadcast %add3A_250 : i32 to vector<16xi32>
    %add3A_252 = arith.addi %add3A_79, %add3A_251 : vector<16xi32>
    %swap3A_253 = arith.constant 304 : index
    %swap3A_254 = tpu.vector_load %arg6[%swap3A_253] {strides = array<i32>} : memref<2048xi32, #tpu.memory_space<vmem>>, vector<16xi32>,
    tpu.vector_store %arg6[%swap3A_253], %add3A_252 {strides = array<i32>} : memref<2048xi32, #tpu.memory_space<vmem>>, vector<16xi32>,
    %add3A_255 = arith.constant 8192000 : i32
    %add3A_256 = vector.broadcast %add3A_255 : i32 to vector<16xi32>
    %add3A_257 = arith.addi %add3A_98, %add3A_256 : vector<16xi32>
    %swap3A_258 = arith.constant 320 : index
    %swap3A_259 = tpu.vector_load %arg6[%swap3A_258] {strides = array<i32>} : memref<2048xi32, #tpu.memory_space<vmem>>, vector<16xi32>,
    tpu.vector_store %arg6[%swap3A_258], %add3A_257 {strides = array<i32>} : memref<2048xi32, #tpu.memory_space<vmem>>, vector<16xi32>,
    %add3A_260 = arith.constant 8192000 : i32
    %add3A_261 = vector.broadcast %add3A_260 : i32 to vector<16xi32>
    %add3A_262 = arith.addi %add3A_117, %add3A_261 : vector<16xi32>
    %swap3A_263 = arith.constant 336 : index
    %swap3A_264 = tpu.vector_load %arg6[%swap3A_263] {strides = array<i32>} : memref<2048xi32, #tpu.memory_space<vmem>>, vector<16xi32>,
    tpu.vector_store %arg6[%swap3A_263], %add3A_262 {strides = array<i32>} : memref<2048xi32, #tpu.memory_space<vmem>>, vector<16xi32>,
    %add3A_265 = arith.constant 8192000 : i32
    %add3A_266 = vector.broadcast %add3A_265 : i32 to vector<16xi32>
    %add3A_267 = arith.addi %add3A_136, %add3A_266 : vector<16xi32>
    %swap3A_268 = arith.constant 352 : index
    %swap3A_269 = tpu.vector_load %arg6[%swap3A_268] {strides = array<i32>} : memref<2048xi32, #tpu.memory_space<vmem>>, vector<16xi32>,
    tpu.vector_store %arg6[%swap3A_268], %add3A_267 {strides = array<i32>} : memref<2048xi32, #tpu.memory_space<vmem>>, vector<16xi32>,
    %add3A_270 = arith.constant 8192000 : i32
    %add3A_271 = vector.broadcast %add3A_270 : i32 to vector<16xi32>
    %add3A_272 = arith.addi %add3A_155, %add3A_271 : vector<16xi32>
    %swap3A_273 = arith.constant 368 : index
    %swap3A_274 = tpu.vector_load %arg6[%swap3A_273] {strides = array<i32>} : memref<2048xi32, #tpu.memory_space<vmem>>, vector<16xi32>,
    tpu.vector_store %arg6[%swap3A_273], %add3A_272 {strides = array<i32>} : memref<2048xi32, #tpu.memory_space<vmem>>, vector<16xi32>,
    %add3A_275 = arith.constant 12288000 : i32
    %add3A_276 = vector.broadcast %add3A_275 : i32 to vector<16xi32>
    %add3A_277 = arith.addi %add3A_22, %add3A_276 : vector<16xi32>
    %swap3A_278 = arith.constant 384 : index
    %swap3A_279 = tpu.vector_load %arg6[%swap3A_278] {strides = array<i32>} : memref<2048xi32, #tpu.memory_space<vmem>>, vector<16xi32>,
    tpu.vector_store %arg6[%swap3A_278], %add3A_277 {strides = array<i32>} : memref<2048xi32, #tpu.memory_space<vmem>>, vector<16xi32>,
    %add3A_280 = arith.constant 12288000 : i32
    %add3A_281 = vector.broadcast %add3A_280 : i32 to vector<16xi32>
    %add3A_282 = arith.addi %add3A_41, %add3A_281 : vector<16xi32>
    %swap3A_283 = arith.constant 400 : index
    %swap3A_284 = tpu.vector_load %arg6[%swap3A_283] {strides = array<i32>} : memref<2048xi32, #tpu.memory_space<vmem>>, vector<16xi32>,
    tpu.vector_store %arg6[%swap3A_283], %add3A_282 {strides = array<i32>} : memref<2048xi32, #tpu.memory_space<vmem>>, vector<16xi32>,
    %add3A_285 = arith.constant 12288000 : i32
    %add3A_286 = vector.broadcast %add3A_285 : i32 to vector<16xi32>
    %add3A_287 = arith.addi %add3A_60, %add3A_286 : vector<16xi32>
    %swap3A_288 = arith.constant 416 : index
    %swap3A_289 = tpu.vector_load %arg6[%swap3A_288] {strides = array<i32>} : memref<2048xi32, #tpu.memory_space<vmem>>, vector<16xi32>,
    tpu.vector_store %arg6[%swap3A_288], %add3A_287 {strides = array<i32>} : memref<2048xi32, #tpu.memory_space<vmem>>, vector<16xi32>,
    %add3A_290 = arith.constant 12288000 : i32
    %add3A_291 = vector.broadcast %add3A_290 : i32 to vector<16xi32>
    %add3A_292 = arith.addi %add3A_79, %add3A_291 : vector<16xi32>
    %swap3A_293 = arith.constant 432 : index
    %swap3A_294 = tpu.vector_load %arg6[%swap3A_293] {strides = array<i32>} : memref<2048xi32, #tpu.memory_space<vmem>>, vector<16xi32>,
    tpu.vector_store %arg6[%swap3A_293], %add3A_292 {strides = array<i32>} : memref<2048xi32, #tpu.memory_space<vmem>>, vector<16xi32>,
    %add3A_295 = arith.constant 12288000 : i32
    %add3A_296 = vector.broadcast %add3A_295 : i32 to vector<16xi32>
    %add3A_297 = arith.addi %add3A_98, %add3A_296 : vector<16xi32>
    %swap3A_298 = arith.constant 448 : index
    %swap3A_299 = tpu.vector_load %arg6[%swap3A_298] {strides = array<i32>} : memref<2048xi32, #tpu.memory_space<vmem>>, vector<16xi32>,
    tpu.vector_store %arg6[%swap3A_298], %add3A_297 {strides = array<i32>} : memref<2048xi32, #tpu.memory_space<vmem>>, vector<16xi32>,
    %add3A_300 = arith.constant 12288000 : i32
    %add3A_301 = vector.broadcast %add3A_300 : i32 to vector<16xi32>
    %add3A_302 = arith.addi %add3A_117, %add3A_301 : vector<16xi32>
    %swap3A_303 = arith.constant 464 : index
    %swap3A_304 = tpu.vector_load %arg6[%swap3A_303] {strides = array<i32>} : memref<2048xi32, #tpu.memory_space<vmem>>, vector<16xi32>,
    tpu.vector_store %arg6[%swap3A_303], %add3A_302 {strides = array<i32>} : memref<2048xi32, #tpu.memory_space<vmem>>, vector<16xi32>,
    %add3A_305 = arith.constant 12288000 : i32
    %add3A_306 = vector.broadcast %add3A_305 : i32 to vector<16xi32>
    %add3A_307 = arith.addi %add3A_136, %add3A_306 : vector<16xi32>
    %swap3A_308 = arith.constant 480 : index
    %swap3A_309 = tpu.vector_load %arg6[%swap3A_308] {strides = array<i32>} : memref<2048xi32, #tpu.memory_space<vmem>>, vector<16xi32>,
    tpu.vector_store %arg6[%swap3A_308], %add3A_307 {strides = array<i32>} : memref<2048xi32, #tpu.memory_space<vmem>>, vector<16xi32>,
    %add3A_310 = arith.constant 12288000 : i32
    %add3A_311 = vector.broadcast %add3A_310 : i32 to vector<16xi32>
    %add3A_312 = arith.addi %add3A_155, %add3A_311 : vector<16xi32>
    %swap3A_313 = arith.constant 496 : index
    %swap3A_314 = tpu.vector_load %arg6[%swap3A_313] {strides = array<i32>} : memref<2048xi32, #tpu.memory_space<vmem>>, vector<16xi32>,
    tpu.vector_store %arg6[%swap3A_313], %add3A_312 {strides = array<i32>} : memref<2048xi32, #tpu.memory_space<vmem>>, vector<16xi32>,
    %add3A_315 = arith.constant 16384000 : i32
    %add3A_316 = vector.broadcast %add3A_315 : i32 to vector<16xi32>
    %add3A_317 = arith.addi %add3A_22, %add3A_316 : vector<16xi32>
    %swap3A_318 = arith.constant 512 : index
    %swap3A_319 = tpu.vector_load %arg6[%swap3A_318] {strides = array<i32>} : memref<2048xi32, #tpu.memory_space<vmem>>, vector<16xi32>,
    tpu.vector_store %arg6[%swap3A_318], %add3A_317 {strides = array<i32>} : memref<2048xi32, #tpu.memory_space<vmem>>, vector<16xi32>,
    %add3A_320 = arith.constant 16384000 : i32
    %add3A_321 = vector.broadcast %add3A_320 : i32 to vector<16xi32>
    %add3A_322 = arith.addi %add3A_41, %add3A_321 : vector<16xi32>
    %swap3A_323 = arith.constant 528 : index
    %swap3A_324 = tpu.vector_load %arg6[%swap3A_323] {strides = array<i32>} : memref<2048xi32, #tpu.memory_space<vmem>>, vector<16xi32>,
    tpu.vector_store %arg6[%swap3A_323], %add3A_322 {strides = array<i32>} : memref<2048xi32, #tpu.memory_space<vmem>>, vector<16xi32>,
    %add3A_325 = arith.constant 16384000 : i32
    %add3A_326 = vector.broadcast %add3A_325 : i32 to vector<16xi32>
    %add3A_327 = arith.addi %add3A_60, %add3A_326 : vector<16xi32>
    %swap3A_328 = arith.constant 544 : index
    %swap3A_329 = tpu.vector_load %arg6[%swap3A_328] {strides = array<i32>} : memref<2048xi32, #tpu.memory_space<vmem>>, vector<16xi32>,
    tpu.vector_store %arg6[%swap3A_328], %add3A_327 {strides = array<i32>} : memref<2048xi32, #tpu.memory_space<vmem>>, vector<16xi32>,
    %add3A_330 = arith.constant 16384000 : i32
    %add3A_331 = vector.broadcast %add3A_330 : i32 to vector<16xi32>
    %add3A_332 = arith.addi %add3A_79, %add3A_331 : vector<16xi32>
    %swap3A_333 = arith.constant 560 : index
    %swap3A_334 = tpu.vector_load %arg6[%swap3A_333] {strides = array<i32>} : memref<2048xi32, #tpu.memory_space<vmem>>, vector<16xi32>,
    tpu.vector_store %arg6[%swap3A_333], %add3A_332 {strides = array<i32>} : memref<2048xi32, #tpu.memory_space<vmem>>, vector<16xi32>,
    %add3A_335 = arith.constant 16384000 : i32
    %add3A_336 = vector.broadcast %add3A_335 : i32 to vector<16xi32>
    %add3A_337 = arith.addi %add3A_98, %add3A_336 : vector<16xi32>
    %swap3A_338 = arith.constant 576 : index
    %swap3A_339 = tpu.vector_load %arg6[%swap3A_338] {strides = array<i32>} : memref<2048xi32, #tpu.memory_space<vmem>>, vector<16xi32>,
    tpu.vector_store %arg6[%swap3A_338], %add3A_337 {strides = array<i32>} : memref<2048xi32, #tpu.memory_space<vmem>>, vector<16xi32>,
    %add3A_340 = arith.constant 16384000 : i32
    %add3A_341 = vector.broadcast %add3A_340 : i32 to vector<16xi32>
    %add3A_342 = arith.addi %add3A_117, %add3A_341 : vector<16xi32>
    %swap3A_343 = arith.constant 592 : index
    %swap3A_344 = tpu.vector_load %arg6[%swap3A_343] {strides = array<i32>} : memref<2048xi32, #tpu.memory_space<vmem>>, vector<16xi32>,
    tpu.vector_store %arg6[%swap3A_343], %add3A_342 {strides = array<i32>} : memref<2048xi32, #tpu.memory_space<vmem>>, vector<16xi32>,
    %add3A_345 = arith.constant 16384000 : i32
    %add3A_346 = vector.broadcast %add3A_345 : i32 to vector<16xi32>
    %add3A_347 = arith.addi %add3A_136, %add3A_346 : vector<16xi32>
    %swap3A_348 = arith.constant 608 : index
    %swap3A_349 = tpu.vector_load %arg6[%swap3A_348] {strides = array<i32>} : memref<2048xi32, #tpu.memory_space<vmem>>, vector<16xi32>,
    tpu.vector_store %arg6[%swap3A_348], %add3A_347 {strides = array<i32>} : memref<2048xi32, #tpu.memory_space<vmem>>, vector<16xi32>,
    %add3A_350 = arith.constant 16384000 : i32
    %add3A_351 = vector.broadcast %add3A_350 : i32 to vector<16xi32>
    %add3A_352 = arith.addi %add3A_155, %add3A_351 : vector<16xi32>
    %swap3A_353 = arith.constant 624 : index
    %swap3A_354 = tpu.vector_load %arg6[%swap3A_353] {strides = array<i32>} : memref<2048xi32, #tpu.memory_space<vmem>>, vector<16xi32>,
    tpu.vector_store %arg6[%swap3A_353], %add3A_352 {strides = array<i32>} : memref<2048xi32, #tpu.memory_space<vmem>>, vector<16xi32>,
    %add3A_355 = arith.constant 20480000 : i32
    %add3A_356 = vector.broadcast %add3A_355 : i32 to vector<16xi32>
    %add3A_357 = arith.addi %add3A_22, %add3A_356 : vector<16xi32>
    %swap3A_358 = arith.constant 640 : index
    %swap3A_359 = tpu.vector_load %arg6[%swap3A_358] {strides = array<i32>} : memref<2048xi32, #tpu.memory_space<vmem>>, vector<16xi32>,
    tpu.vector_store %arg6[%swap3A_358], %add3A_357 {strides = array<i32>} : memref<2048xi32, #tpu.memory_space<vmem>>, vector<16xi32>,
    %add3A_360 = arith.constant 20480000 : i32
    %add3A_361 = vector.broadcast %add3A_360 : i32 to vector<16xi32>
    %add3A_362 = arith.addi %add3A_41, %add3A_361 : vector<16xi32>
    %swap3A_363 = arith.constant 656 : index
    %swap3A_364 = tpu.vector_load %arg6[%swap3A_363] {strides = array<i32>} : memref<2048xi32, #tpu.memory_space<vmem>>, vector<16xi32>,
    tpu.vector_store %arg6[%swap3A_363], %add3A_362 {strides = array<i32>} : memref<2048xi32, #tpu.memory_space<vmem>>, vector<16xi32>,
    %add3A_365 = arith.constant 20480000 : i32
    %add3A_366 = vector.broadcast %add3A_365 : i32 to vector<16xi32>
    %add3A_367 = arith.addi %add3A_60, %add3A_366 : vector<16xi32>
    %swap3A_368 = arith.constant 672 : index
    %swap3A_369 = tpu.vector_load %arg6[%swap3A_368] {strides = array<i32>} : memref<2048xi32, #tpu.memory_space<vmem>>, vector<16xi32>,
    tpu.vector_store %arg6[%swap3A_368], %add3A_367 {strides = array<i32>} : memref<2048xi32, #tpu.memory_space<vmem>>, vector<16xi32>,
    %add3A_370 = arith.constant 20480000 : i32
    %add3A_371 = vector.broadcast %add3A_370 : i32 to vector<16xi32>
    %add3A_372 = arith.addi %add3A_79, %add3A_371 : vector<16xi32>
    %swap3A_373 = arith.constant 688 : index
    %swap3A_374 = tpu.vector_load %arg6[%swap3A_373] {strides = array<i32>} : memref<2048xi32, #tpu.memory_space<vmem>>, vector<16xi32>,
    tpu.vector_store %arg6[%swap3A_373], %add3A_372 {strides = array<i32>} : memref<2048xi32, #tpu.memory_space<vmem>>, vector<16xi32>,
    %add3A_375 = arith.constant 20480000 : i32
    %add3A_376 = vector.broadcast %add3A_375 : i32 to vector<16xi32>
    %add3A_377 = arith.addi %add3A_98, %add3A_376 : vector<16xi32>
    %swap3A_378 = arith.constant 704 : index
    %swap3A_379 = tpu.vector_load %arg6[%swap3A_378] {strides = array<i32>} : memref<2048xi32, #tpu.memory_space<vmem>>, vector<16xi32>,
    tpu.vector_store %arg6[%swap3A_378], %add3A_377 {strides = array<i32>} : memref<2048xi32, #tpu.memory_space<vmem>>, vector<16xi32>,
    %add3A_380 = arith.constant 20480000 : i32
    %add3A_381 = vector.broadcast %add3A_380 : i32 to vector<16xi32>
    %add3A_382 = arith.addi %add3A_117, %add3A_381 : vector<16xi32>
    %swap3A_383 = arith.constant 720 : index
    %swap3A_384 = tpu.vector_load %arg6[%swap3A_383] {strides = array<i32>} : memref<2048xi32, #tpu.memory_space<vmem>>, vector<16xi32>,
    tpu.vector_store %arg6[%swap3A_383], %add3A_382 {strides = array<i32>} : memref<2048xi32, #tpu.memory_space<vmem>>, vector<16xi32>,
    %add3A_385 = arith.constant 20480000 : i32
    %add3A_386 = vector.broadcast %add3A_385 : i32 to vector<16xi32>
    %add3A_387 = arith.addi %add3A_136, %add3A_386 : vector<16xi32>
    %swap3A_388 = arith.constant 736 : index
    %swap3A_389 = tpu.vector_load %arg6[%swap3A_388] {strides = array<i32>} : memref<2048xi32, #tpu.memory_space<vmem>>, vector<16xi32>,
    tpu.vector_store %arg6[%swap3A_388], %add3A_387 {strides = array<i32>} : memref<2048xi32, #tpu.memory_space<vmem>>, vector<16xi32>,
    %add3A_390 = arith.constant 20480000 : i32
    %add3A_391 = vector.broadcast %add3A_390 : i32 to vector<16xi32>
    %add3A_392 = arith.addi %add3A_155, %add3A_391 : vector<16xi32>
    %swap3A_393 = arith.constant 752 : index
    %swap3A_394 = tpu.vector_load %arg6[%swap3A_393] {strides = array<i32>} : memref<2048xi32, #tpu.memory_space<vmem>>, vector<16xi32>,
    tpu.vector_store %arg6[%swap3A_393], %add3A_392 {strides = array<i32>} : memref<2048xi32, #tpu.memory_space<vmem>>, vector<16xi32>,
    %add3A_395 = arith.constant 24576000 : i32
    %add3A_396 = vector.broadcast %add3A_395 : i32 to vector<16xi32>
    %add3A_397 = arith.addi %add3A_22, %add3A_396 : vector<16xi32>
    %swap3A_398 = arith.constant 768 : index
    %swap3A_399 = tpu.vector_load %arg6[%swap3A_398] {strides = array<i32>} : memref<2048xi32, #tpu.memory_space<vmem>>, vector<16xi32>,
    tpu.vector_store %arg6[%swap3A_398], %add3A_397 {strides = array<i32>} : memref<2048xi32, #tpu.memory_space<vmem>>, vector<16xi32>,
    %add3A_400 = arith.constant 24576000 : i32
    %add3A_401 = vector.broadcast %add3A_400 : i32 to vector<16xi32>
    %add3A_402 = arith.addi %add3A_41, %add3A_401 : vector<16xi32>
    %swap3A_403 = arith.constant 784 : index
    %swap3A_404 = tpu.vector_load %arg6[%swap3A_403] {strides = array<i32>} : memref<2048xi32, #tpu.memory_space<vmem>>, vector<16xi32>,
    tpu.vector_store %arg6[%swap3A_403], %add3A_402 {strides = array<i32>} : memref<2048xi32, #tpu.memory_space<vmem>>, vector<16xi32>,
    %add3A_405 = arith.constant 24576000 : i32
    %add3A_406 = vector.broadcast %add3A_405 : i32 to vector<16xi32>
    %add3A_407 = arith.addi %add3A_60, %add3A_406 : vector<16xi32>
    %swap3A_408 = arith.constant 800 : index
    %swap3A_409 = tpu.vector_load %arg6[%swap3A_408] {strides = array<i32>} : memref<2048xi32, #tpu.memory_space<vmem>>, vector<16xi32>,
    tpu.vector_store %arg6[%swap3A_408], %add3A_407 {strides = array<i32>} : memref<2048xi32, #tpu.memory_space<vmem>>, vector<16xi32>,
    %add3A_410 = arith.constant 24576000 : i32
    %add3A_411 = vector.broadcast %add3A_410 : i32 to vector<16xi32>
    %add3A_412 = arith.addi %add3A_79, %add3A_411 : vector<16xi32>
    %swap3A_413 = arith.constant 816 : index
    %swap3A_414 = tpu.vector_load %arg6[%swap3A_413] {strides = array<i32>} : memref<2048xi32, #tpu.memory_space<vmem>>, vector<16xi32>,
    tpu.vector_store %arg6[%swap3A_413], %add3A_412 {strides = array<i32>} : memref<2048xi32, #tpu.memory_space<vmem>>, vector<16xi32>,
    %add3A_415 = arith.constant 24576000 : i32
    %add3A_416 = vector.broadcast %add3A_415 : i32 to vector<16xi32>
    %add3A_417 = arith.addi %add3A_98, %add3A_416 : vector<16xi32>
    %swap3A_418 = arith.constant 832 : index
    %swap3A_419 = tpu.vector_load %arg6[%swap3A_418] {strides = array<i32>} : memref<2048xi32, #tpu.memory_space<vmem>>, vector<16xi32>,
    tpu.vector_store %arg6[%swap3A_418], %add3A_417 {strides = array<i32>} : memref<2048xi32, #tpu.memory_space<vmem>>, vector<16xi32>,
    %add3A_420 = arith.constant 24576000 : i32
    %add3A_421 = vector.broadcast %add3A_420 : i32 to vector<16xi32>
    %add3A_422 = arith.addi %add3A_117, %add3A_421 : vector<16xi32>
    %swap3A_423 = arith.constant 848 : index
    %swap3A_424 = tpu.vector_load %arg6[%swap3A_423] {strides = array<i32>} : memref<2048xi32, #tpu.memory_space<vmem>>, vector<16xi32>,
    tpu.vector_store %arg6[%swap3A_423], %add3A_422 {strides = array<i32>} : memref<2048xi32, #tpu.memory_space<vmem>>, vector<16xi32>,
    %add3A_425 = arith.constant 24576000 : i32
    %add3A_426 = vector.broadcast %add3A_425 : i32 to vector<16xi32>
    %add3A_427 = arith.addi %add3A_136, %add3A_426 : vector<16xi32>
    %swap3A_428 = arith.constant 864 : index
    %swap3A_429 = tpu.vector_load %arg6[%swap3A_428] {strides = array<i32>} : memref<2048xi32, #tpu.memory_space<vmem>>, vector<16xi32>,
    tpu.vector_store %arg6[%swap3A_428], %add3A_427 {strides = array<i32>} : memref<2048xi32, #tpu.memory_space<vmem>>, vector<16xi32>,
    %add3A_430 = arith.constant 24576000 : i32
    %add3A_431 = vector.broadcast %add3A_430 : i32 to vector<16xi32>
    %add3A_432 = arith.addi %add3A_155, %add3A_431 : vector<16xi32>
    %swap3A_433 = arith.constant 880 : index
    %swap3A_434 = tpu.vector_load %arg6[%swap3A_433] {strides = array<i32>} : memref<2048xi32, #tpu.memory_space<vmem>>, vector<16xi32>,
    tpu.vector_store %arg6[%swap3A_433], %add3A_432 {strides = array<i32>} : memref<2048xi32, #tpu.memory_space<vmem>>, vector<16xi32>,
    %add3A_435 = arith.constant 28672000 : i32
    %add3A_436 = vector.broadcast %add3A_435 : i32 to vector<16xi32>
    %add3A_437 = arith.addi %add3A_22, %add3A_436 : vector<16xi32>
    %swap3A_438 = arith.constant 896 : index
    %swap3A_439 = tpu.vector_load %arg6[%swap3A_438] {strides = array<i32>} : memref<2048xi32, #tpu.memory_space<vmem>>, vector<16xi32>,
    tpu.vector_store %arg6[%swap3A_438], %add3A_437 {strides = array<i32>} : memref<2048xi32, #tpu.memory_space<vmem>>, vector<16xi32>,
    %add3A_440 = arith.constant 28672000 : i32
    %add3A_441 = vector.broadcast %add3A_440 : i32 to vector<16xi32>
    %add3A_442 = arith.addi %add3A_41, %add3A_441 : vector<16xi32>
    %swap3A_443 = arith.constant 912 : index
    %swap3A_444 = tpu.vector_load %arg6[%swap3A_443] {strides = array<i32>} : memref<2048xi32, #tpu.memory_space<vmem>>, vector<16xi32>,
    tpu.vector_store %arg6[%swap3A_443], %add3A_442 {strides = array<i32>} : memref<2048xi32, #tpu.memory_space<vmem>>, vector<16xi32>,
    %add3A_445 = arith.constant 28672000 : i32
    %add3A_446 = vector.broadcast %add3A_445 : i32 to vector<16xi32>
    %add3A_447 = arith.addi %add3A_60, %add3A_446 : vector<16xi32>
    %swap3A_448 = arith.constant 928 : index
    %swap3A_449 = tpu.vector_load %arg6[%swap3A_448] {strides = array<i32>} : memref<2048xi32, #tpu.memory_space<vmem>>, vector<16xi32>,
    tpu.vector_store %arg6[%swap3A_448], %add3A_447 {strides = array<i32>} : memref<2048xi32, #tpu.memory_space<vmem>>, vector<16xi32>,
    %add3A_450 = arith.constant 28672000 : i32
    %add3A_451 = vector.broadcast %add3A_450 : i32 to vector<16xi32>
    %add3A_452 = arith.addi %add3A_79, %add3A_451 : vector<16xi32>
    %swap3A_453 = arith.constant 944 : index
    %swap3A_454 = tpu.vector_load %arg6[%swap3A_453] {strides = array<i32>} : memref<2048xi32, #tpu.memory_space<vmem>>, vector<16xi32>,
    tpu.vector_store %arg6[%swap3A_453], %add3A_452 {strides = array<i32>} : memref<2048xi32, #tpu.memory_space<vmem>>, vector<16xi32>,
    %add3A_455 = arith.constant 28672000 : i32
    %add3A_456 = vector.broadcast %add3A_455 : i32 to vector<16xi32>
    %add3A_457 = arith.addi %add3A_98, %add3A_456 : vector<16xi32>
    %swap3A_458 = arith.constant 960 : index
    %swap3A_459 = tpu.vector_load %arg6[%swap3A_458] {strides = array<i32>} : memref<2048xi32, #tpu.memory_space<vmem>>, vector<16xi32>,
    tpu.vector_store %arg6[%swap3A_458], %add3A_457 {strides = array<i32>} : memref<2048xi32, #tpu.memory_space<vmem>>, vector<16xi32>,
    %add3A_460 = arith.constant 28672000 : i32
    %add3A_461 = vector.broadcast %add3A_460 : i32 to vector<16xi32>
    %add3A_462 = arith.addi %add3A_117, %add3A_461 : vector<16xi32>
    %swap3A_463 = arith.constant 976 : index
    %swap3A_464 = tpu.vector_load %arg6[%swap3A_463] {strides = array<i32>} : memref<2048xi32, #tpu.memory_space<vmem>>, vector<16xi32>,
    tpu.vector_store %arg6[%swap3A_463], %add3A_462 {strides = array<i32>} : memref<2048xi32, #tpu.memory_space<vmem>>, vector<16xi32>,
    %add3A_465 = arith.constant 28672000 : i32
    %add3A_466 = vector.broadcast %add3A_465 : i32 to vector<16xi32>
    %add3A_467 = arith.addi %add3A_136, %add3A_466 : vector<16xi32>
    %swap3A_468 = arith.constant 992 : index
    %swap3A_469 = tpu.vector_load %arg6[%swap3A_468] {strides = array<i32>} : memref<2048xi32, #tpu.memory_space<vmem>>, vector<16xi32>,
    tpu.vector_store %arg6[%swap3A_468], %add3A_467 {strides = array<i32>} : memref<2048xi32, #tpu.memory_space<vmem>>, vector<16xi32>,
    %add3A_470 = arith.constant 28672000 : i32
    %add3A_471 = vector.broadcast %add3A_470 : i32 to vector<16xi32>
    %add3A_472 = arith.addi %add3A_155, %add3A_471 : vector<16xi32>
    %swap3A_473 = arith.constant 1008 : index
    %swap3A_474 = tpu.vector_load %arg6[%swap3A_473] {strides = array<i32>} : memref<2048xi32, #tpu.memory_space<vmem>>, vector<16xi32>,
    tpu.vector_store %arg6[%swap3A_473], %add3A_472 {strides = array<i32>} : memref<2048xi32, #tpu.memory_space<vmem>>, vector<16xi32>,
    %dma_start3A = arith.constant 0 : i32
    %dma_start3A_475 = tpu.memref_slice %arg7[%dma_start3A] : memref<2048xf32, #tpu.memory_space<vmem>> -> memref<1024xf32, #tpu.memory_space<vmem>>
    %dma_start3A_476 = arith.constant 0 : i32
    %dma_start3A_477 = tpu.memref_slice %arg6[%dma_start3A_476] : memref<2048xi32, #tpu.memory_space<vmem>> -> memref<1024xi32, #tpu.memory_space<vmem>>
    %dma_start3A_478 = arith.constant 0 : i32
    %dma_start3A_479 = tpu.memref_slice %arg2[%dma_start3A_478] : memref<65536000xf32, #tpu.memory_space<hbm>> -> memref<65536000xf32, #tpu.memory_space<hbm>>
    tpu.enqueue_indirect_dma source(%dma_start3A_479 : memref<65536000xf32, #tpu.memory_space<hbm>>) target(%dma_start3A_475 : memref<1024xf32, #tpu.memory_space<vmem>>) offsets(%dma_start3A_477 : memref<1024xi32, #tpu.memory_space<vmem>>) semaphore(%arg8 : memref<!tpu.dma_semaphore, #tpu.memory_space<semaphore_mem>>)
    %add3A_480 = arith.constant 32768000 : i32
    %add3A_481 = vector.broadcast %add3A_480 : i32 to vector<16xi32>
    %add3A_482 = arith.addi %add3A_22, %add3A_481 : vector<16xi32>
    %swap3A_483 = arith.constant 1024 : index
    %swap3A_484 = tpu.vector_load %arg6[%swap3A_483] {strides = array<i32>} : memref<2048xi32, #tpu.memory_space<vmem>>, vector<16xi32>,
    tpu.vector_store %arg6[%swap3A_483], %add3A_482 {strides = array<i32>} : memref<2048xi32, #tpu.memory_space<vmem>>, vector<16xi32>,
    %add3A_485 = arith.constant 32768000 : i32
    %add3A_486 = vector.broadcast %add3A_485 : i32 to vector<16xi32>
    %add3A_487 = arith.addi %add3A_41, %add3A_486 : vector<16xi32>
    %swap3A_488 = arith.constant 1040 : index
    %swap3A_489 = tpu.vector_load %arg6[%swap3A_488] {strides = array<i32>} : memref<2048xi32, #tpu.memory_space<vmem>>, vector<16xi32>,
    tpu.vector_store %arg6[%swap3A_488], %add3A_487 {strides = array<i32>} : memref<2048xi32, #tpu.memory_space<vmem>>, vector<16xi32>,
    %add3A_490 = arith.constant 32768000 : i32
    %add3A_491 = vector.broadcast %add3A_490 : i32 to vector<16xi32>
    %add3A_492 = arith.addi %add3A_60, %add3A_491 : vector<16xi32>
    %swap3A_493 = arith.constant 1056 : index
    %swap3A_494 = tpu.vector_load %arg6[%swap3A_493] {strides = array<i32>} : memref<2048xi32, #tpu.memory_space<vmem>>, vector<16xi32>,
    tpu.vector_store %arg6[%swap3A_493], %add3A_492 {strides = array<i32>} : memref<2048xi32, #tpu.memory_space<vmem>>, vector<16xi32>,
    %add3A_495 = arith.constant 32768000 : i32
    %add3A_496 = vector.broadcast %add3A_495 : i32 to vector<16xi32>
    %add3A_497 = arith.addi %add3A_79, %add3A_496 : vector<16xi32>
    %swap3A_498 = arith.constant 1072 : index
    %swap3A_499 = tpu.vector_load %arg6[%swap3A_498] {strides = array<i32>} : memref<2048xi32, #tpu.memory_space<vmem>>, vector<16xi32>,
    tpu.vector_store %arg6[%swap3A_498], %add3A_497 {strides = array<i32>} : memref<2048xi32, #tpu.memory_space<vmem>>, vector<16xi32>,
    %add3A_500 = arith.constant 32768000 : i32
    %add3A_501 = vector.broadcast %add3A_500 : i32 to vector<16xi32>
    %add3A_502 = arith.addi %add3A_98, %add3A_501 : vector<16xi32>
    %swap3A_503 = arith.constant 1088 : index
    %swap3A_504 = tpu.vector_load %arg6[%swap3A_503] {strides = array<i32>} : memref<2048xi32, #tpu.memory_space<vmem>>, vector<16xi32>,
    tpu.vector_store %arg6[%swap3A_503], %add3A_502 {strides = array<i32>} : memref<2048xi32, #tpu.memory_space<vmem>>, vector<16xi32>,
    %add3A_505 = arith.constant 32768000 : i32
    %add3A_506 = vector.broadcast %add3A_505 : i32 to vector<16xi32>
    %add3A_507 = arith.addi %add3A_117, %add3A_506 : vector<16xi32>
    %swap3A_508 = arith.constant 1104 : index
    %swap3A_509 = tpu.vector_load %arg6[%swap3A_508] {strides = array<i32>} : memref<2048xi32, #tpu.memory_space<vmem>>, vector<16xi32>,
    tpu.vector_store %arg6[%swap3A_508], %add3A_507 {strides = array<i32>} : memref<2048xi32, #tpu.memory_space<vmem>>, vector<16xi32>,
    %add3A_510 = arith.constant 32768000 : i32
    %add3A_511 = vector.broadcast %add3A_510 : i32 to vector<16xi32>
    %add3A_512 = arith.addi %add3A_136, %add3A_511 : vector<16xi32>
    %swap3A_513 = arith.constant 1120 : index
    %swap3A_514 = tpu.vector_load %arg6[%swap3A_513] {strides = array<i32>} : memref<2048xi32, #tpu.memory_space<vmem>>, vector<16xi32>,
    tpu.vector_store %arg6[%swap3A_513], %add3A_512 {strides = array<i32>} : memref<2048xi32, #tpu.memory_space<vmem>>, vector<16xi32>,
    %add3A_515 = arith.constant 32768000 : i32
    %add3A_516 = vector.broadcast %add3A_515 : i32 to vector<16xi32>
    %add3A_517 = arith.addi %add3A_155, %add3A_516 : vector<16xi32>
    %swap3A_518 = arith.constant 1136 : index
    %swap3A_519 = tpu.vector_load %arg6[%swap3A_518] {strides = array<i32>} : memref<2048xi32, #tpu.memory_space<vmem>>, vector<16xi32>,
    tpu.vector_store %arg6[%swap3A_518], %add3A_517 {strides = array<i32>} : memref<2048xi32, #tpu.memory_space<vmem>>, vector<16xi32>,
    %add3A_520 = arith.constant 36864000 : i32
    %add3A_521 = vector.broadcast %add3A_520 : i32 to vector<16xi32>
    %add3A_522 = arith.addi %add3A_22, %add3A_521 : vector<16xi32>
    %swap3A_523 = arith.constant 1152 : index
    %swap3A_524 = tpu.vector_load %arg6[%swap3A_523] {strides = array<i32>} : memref<2048xi32, #tpu.memory_space<vmem>>, vector<16xi32>,
    tpu.vector_store %arg6[%swap3A_523], %add3A_522 {strides = array<i32>} : memref<2048xi32, #tpu.memory_space<vmem>>, vector<16xi32>,
    %add3A_525 = arith.constant 36864000 : i32
    %add3A_526 = vector.broadcast %add3A_525 : i32 to vector<16xi32>
    %add3A_527 = arith.addi %add3A_41, %add3A_526 : vector<16xi32>
    %swap3A_528 = arith.constant 1168 : index
    %swap3A_529 = tpu.vector_load %arg6[%swap3A_528] {strides = array<i32>} : memref<2048xi32, #tpu.memory_space<vmem>>, vector<16xi32>,
    tpu.vector_store %arg6[%swap3A_528], %add3A_527 {strides = array<i32>} : memref<2048xi32, #tpu.memory_space<vmem>>, vector<16xi32>,
    %add3A_530 = arith.constant 36864000 : i32
    %add3A_531 = vector.broadcast %add3A_530 : i32 to vector<16xi32>
    %add3A_532 = arith.addi %add3A_60, %add3A_531 : vector<16xi32>
    %swap3A_533 = arith.constant 1184 : index
    %swap3A_534 = tpu.vector_load %arg6[%swap3A_533] {strides = array<i32>} : memref<2048xi32, #tpu.memory_space<vmem>>, vector<16xi32>,
    tpu.vector_store %arg6[%swap3A_533], %add3A_532 {strides = array<i32>} : memref<2048xi32, #tpu.memory_space<vmem>>, vector<16xi32>,
    %add3A_535 = arith.constant 36864000 : i32
    %add3A_536 = vector.broadcast %add3A_535 : i32 to vector<16xi32>
    %add3A_537 = arith.addi %add3A_79, %add3A_536 : vector<16xi32>
    %swap3A_538 = arith.constant 1200 : index
    %swap3A_539 = tpu.vector_load %arg6[%swap3A_538] {strides = array<i32>} : memref<2048xi32, #tpu.memory_space<vmem>>, vector<16xi32>,
    tpu.vector_store %arg6[%swap3A_538], %add3A_537 {strides = array<i32>} : memref<2048xi32, #tpu.memory_space<vmem>>, vector<16xi32>,
    %add3A_540 = arith.constant 36864000 : i32
    %add3A_541 = vector.broadcast %add3A_540 : i32 to vector<16xi32>
    %add3A_542 = arith.addi %add3A_98, %add3A_541 : vector<16xi32>
    %swap3A_543 = arith.constant 1216 : index
    %swap3A_544 = tpu.vector_load %arg6[%swap3A_543] {strides = array<i32>} : memref<2048xi32, #tpu.memory_space<vmem>>, vector<16xi32>,
    tpu.vector_store %arg6[%swap3A_543], %add3A_542 {strides = array<i32>} : memref<2048xi32, #tpu.memory_space<vmem>>, vector<16xi32>,
    %add3A_545 = arith.constant 36864000 : i32
    %add3A_546 = vector.broadcast %add3A_545 : i32 to vector<16xi32>
    %add3A_547 = arith.addi %add3A_117, %add3A_546 : vector<16xi32>
    %swap3A_548 = arith.constant 1232 : index
    %swap3A_549 = tpu.vector_load %arg6[%swap3A_548] {strides = array<i32>} : memref<2048xi32, #tpu.memory_space<vmem>>, vector<16xi32>,
    tpu.vector_store %arg6[%swap3A_548], %add3A_547 {strides = array<i32>} : memref<2048xi32, #tpu.memory_space<vmem>>, vector<16xi32>,
    %add3A_550 = arith.constant 36864000 : i32
    %add3A_551 = vector.broadcast %add3A_550 : i32 to vector<16xi32>
    %add3A_552 = arith.addi %add3A_136, %add3A_551 : vector<16xi32>
    %swap3A_553 = arith.constant 1248 : index
    %swap3A_554 = tpu.vector_load %arg6[%swap3A_553] {strides = array<i32>} : memref<2048xi32, #tpu.memory_space<vmem>>, vector<16xi32>,
    tpu.vector_store %arg6[%swap3A_553], %add3A_552 {strides = array<i32>} : memref<2048xi32, #tpu.memory_space<vmem>>, vector<16xi32>,
    %add3A_555 = arith.constant 36864000 : i32
    %add3A_556 = vector.broadcast %add3A_555 : i32 to vector<16xi32>
    %add3A_557 = arith.addi %add3A_155, %add3A_556 : vector<16xi32>
    %swap3A_558 = arith.constant 1264 : index
    %swap3A_559 = tpu.vector_load %arg6[%swap3A_558] {strides = array<i32>} : memref<2048xi32, #tpu.memory_space<vmem>>, vector<16xi32>,
    tpu.vector_store %arg6[%swap3A_558], %add3A_557 {strides = array<i32>} : memref<2048xi32, #tpu.memory_space<vmem>>, vector<16xi32>,
    %add3A_560 = arith.constant 40960000 : i32
    %add3A_561 = vector.broadcast %add3A_560 : i32 to vector<16xi32>
    %add3A_562 = arith.addi %add3A_22, %add3A_561 : vector<16xi32>
    %swap3A_563 = arith.constant 1280 : index
    %swap3A_564 = tpu.vector_load %arg6[%swap3A_563] {strides = array<i32>} : memref<2048xi32, #tpu.memory_space<vmem>>, vector<16xi32>,
    tpu.vector_store %arg6[%swap3A_563], %add3A_562 {strides = array<i32>} : memref<2048xi32, #tpu.memory_space<vmem>>, vector<16xi32>,
    %add3A_565 = arith.constant 40960000 : i32
    %add3A_566 = vector.broadcast %add3A_565 : i32 to vector<16xi32>
    %add3A_567 = arith.addi %add3A_41, %add3A_566 : vector<16xi32>
    %swap3A_568 = arith.constant 1296 : index
    %swap3A_569 = tpu.vector_load %arg6[%swap3A_568] {strides = array<i32>} : memref<2048xi32, #tpu.memory_space<vmem>>, vector<16xi32>,
    tpu.vector_store %arg6[%swap3A_568], %add3A_567 {strides = array<i32>} : memref<2048xi32, #tpu.memory_space<vmem>>, vector<16xi32>,
    %add3A_570 = arith.constant 40960000 : i32
    %add3A_571 = vector.broadcast %add3A_570 : i32 to vector<16xi32>
    %add3A_572 = arith.addi %add3A_60, %add3A_571 : vector<16xi32>
    %swap3A_573 = arith.constant 1312 : index
    %swap3A_574 = tpu.vector_load %arg6[%swap3A_573] {strides = array<i32>} : memref<2048xi32, #tpu.memory_space<vmem>>, vector<16xi32>,
    tpu.vector_store %arg6[%swap3A_573], %add3A_572 {strides = array<i32>} : memref<2048xi32, #tpu.memory_space<vmem>>, vector<16xi32>,
    %add3A_575 = arith.constant 40960000 : i32
    %add3A_576 = vector.broadcast %add3A_575 : i32 to vector<16xi32>
    %add3A_577 = arith.addi %add3A_79, %add3A_576 : vector<16xi32>
    %swap3A_578 = arith.constant 1328 : index
    %swap3A_579 = tpu.vector_load %arg6[%swap3A_578] {strides = array<i32>} : memref<2048xi32, #tpu.memory_space<vmem>>, vector<16xi32>,
    tpu.vector_store %arg6[%swap3A_578], %add3A_577 {strides = array<i32>} : memref<2048xi32, #tpu.memory_space<vmem>>, vector<16xi32>,
    %add3A_580 = arith.constant 40960000 : i32
    %add3A_581 = vector.broadcast %add3A_580 : i32 to vector<16xi32>
    %add3A_582 = arith.addi %add3A_98, %add3A_581 : vector<16xi32>
    %swap3A_583 = arith.constant 1344 : index
    %swap3A_584 = tpu.vector_load %arg6[%swap3A_583] {strides = array<i32>} : memref<2048xi32, #tpu.memory_space<vmem>>, vector<16xi32>,
    tpu.vector_store %arg6[%swap3A_583], %add3A_582 {strides = array<i32>} : memref<2048xi32, #tpu.memory_space<vmem>>, vector<16xi32>,
    %add3A_585 = arith.constant 40960000 : i32
    %add3A_586 = vector.broadcast %add3A_585 : i32 to vector<16xi32>
    %add3A_587 = arith.addi %add3A_117, %add3A_586 : vector<16xi32>
    %swap3A_588 = arith.constant 1360 : index
    %swap3A_589 = tpu.vector_load %arg6[%swap3A_588] {strides = array<i32>} : memref<2048xi32, #tpu.memory_space<vmem>>, vector<16xi32>,
    tpu.vector_store %arg6[%swap3A_588], %add3A_587 {strides = array<i32>} : memref<2048xi32, #tpu.memory_space<vmem>>, vector<16xi32>,
    %add3A_590 = arith.constant 40960000 : i32
    %add3A_591 = vector.broadcast %add3A_590 : i32 to vector<16xi32>
    %add3A_592 = arith.addi %add3A_136, %add3A_591 : vector<16xi32>
    %swap3A_593 = arith.constant 1376 : index
    %swap3A_594 = tpu.vector_load %arg6[%swap3A_593] {strides = array<i32>} : memref<2048xi32, #tpu.memory_space<vmem>>, vector<16xi32>,
    tpu.vector_store %arg6[%swap3A_593], %add3A_592 {strides = array<i32>} : memref<2048xi32, #tpu.memory_space<vmem>>, vector<16xi32>,
    %add3A_595 = arith.constant 40960000 : i32
    %add3A_596 = vector.broadcast %add3A_595 : i32 to vector<16xi32>
    %add3A_597 = arith.addi %add3A_155, %add3A_596 : vector<16xi32>
    %swap3A_598 = arith.constant 1392 : index
    %swap3A_599 = tpu.vector_load %arg6[%swap3A_598] {strides = array<i32>} : memref<2048xi32, #tpu.memory_space<vmem>>, vector<16xi32>,
    tpu.vector_store %arg6[%swap3A_598], %add3A_597 {strides = array<i32>} : memref<2048xi32, #tpu.memory_space<vmem>>, vector<16xi32>,
    %add3A_600 = arith.constant 45056000 : i32
    %add3A_601 = vector.broadcast %add3A_600 : i32 to vector<16xi32>
    %add3A_602 = arith.addi %add3A_22, %add3A_601 : vector<16xi32>
    %swap3A_603 = arith.constant 1408 : index
    %swap3A_604 = tpu.vector_load %arg6[%swap3A_603] {strides = array<i32>} : memref<2048xi32, #tpu.memory_space<vmem>>, vector<16xi32>,
    tpu.vector_store %arg6[%swap3A_603], %add3A_602 {strides = array<i32>} : memref<2048xi32, #tpu.memory_space<vmem>>, vector<16xi32>,
    %add3A_605 = arith.constant 45056000 : i32
    %add3A_606 = vector.broadcast %add3A_605 : i32 to vector<16xi32>
    %add3A_607 = arith.addi %add3A_41, %add3A_606 : vector<16xi32>
    %swap3A_608 = arith.constant 1424 : index
    %swap3A_609 = tpu.vector_load %arg6[%swap3A_608] {strides = array<i32>} : memref<2048xi32, #tpu.memory_space<vmem>>, vector<16xi32>,
    tpu.vector_store %arg6[%swap3A_608], %add3A_607 {strides = array<i32>} : memref<2048xi32, #tpu.memory_space<vmem>>, vector<16xi32>,
    %add3A_610 = arith.constant 45056000 : i32
    %add3A_611 = vector.broadcast %add3A_610 : i32 to vector<16xi32>
    %add3A_612 = arith.addi %add3A_60, %add3A_611 : vector<16xi32>
    %swap3A_613 = arith.constant 1440 : index
    %swap3A_614 = tpu.vector_load %arg6[%swap3A_613] {strides = array<i32>} : memref<2048xi32, #tpu.memory_space<vmem>>, vector<16xi32>,
    tpu.vector_store %arg6[%swap3A_613], %add3A_612 {strides = array<i32>} : memref<2048xi32, #tpu.memory_space<vmem>>, vector<16xi32>,
    %add3A_615 = arith.constant 45056000 : i32
    %add3A_616 = vector.broadcast %add3A_615 : i32 to vector<16xi32>
    %add3A_617 = arith.addi %add3A_79, %add3A_616 : vector<16xi32>
    %swap3A_618 = arith.constant 1456 : index
    %swap3A_619 = tpu.vector_load %arg6[%swap3A_618] {strides = array<i32>} : memref<2048xi32, #tpu.memory_space<vmem>>, vector<16xi32>,
    tpu.vector_store %arg6[%swap3A_618], %add3A_617 {strides = array<i32>} : memref<2048xi32, #tpu.memory_space<vmem>>, vector<16xi32>,
    %add3A_620 = arith.constant 45056000 : i32
    %add3A_621 = vector.broadcast %add3A_620 : i32 to vector<16xi32>
    %add3A_622 = arith.addi %add3A_98, %add3A_621 : vector<16xi32>
    %swap3A_623 = arith.constant 1472 : index
    %swap3A_624 = tpu.vector_load %arg6[%swap3A_623] {strides = array<i32>} : memref<2048xi32, #tpu.memory_space<vmem>>, vector<16xi32>,
    tpu.vector_store %arg6[%swap3A_623], %add3A_622 {strides = array<i32>} : memref<2048xi32, #tpu.memory_space<vmem>>, vector<16xi32>,
    %add3A_625 = arith.constant 45056000 : i32
    %add3A_626 = vector.broadcast %add3A_625 : i32 to vector<16xi32>
    %add3A_627 = arith.addi %add3A_117, %add3A_626 : vector<16xi32>
    %swap3A_628 = arith.constant 1488 : index
    %swap3A_629 = tpu.vector_load %arg6[%swap3A_628] {strides = array<i32>} : memref<2048xi32, #tpu.memory_space<vmem>>, vector<16xi32>,
    tpu.vector_store %arg6[%swap3A_628], %add3A_627 {strides = array<i32>} : memref<2048xi32, #tpu.memory_space<vmem>>, vector<16xi32>,
    %add3A_630 = arith.constant 45056000 : i32
    %add3A_631 = vector.broadcast %add3A_630 : i32 to vector<16xi32>
    %add3A_632 = arith.addi %add3A_136, %add3A_631 : vector<16xi32>
    %swap3A_633 = arith.constant 1504 : index
    %swap3A_634 = tpu.vector_load %arg6[%swap3A_633] {strides = array<i32>} : memref<2048xi32, #tpu.memory_space<vmem>>, vector<16xi32>,
    tpu.vector_store %arg6[%swap3A_633], %add3A_632 {strides = array<i32>} : memref<2048xi32, #tpu.memory_space<vmem>>, vector<16xi32>,
    %add3A_635 = arith.constant 45056000 : i32
    %add3A_636 = vector.broadcast %add3A_635 : i32 to vector<16xi32>
    %add3A_637 = arith.addi %add3A_155, %add3A_636 : vector<16xi32>
    %swap3A_638 = arith.constant 1520 : index
    %swap3A_639 = tpu.vector_load %arg6[%swap3A_638] {strides = array<i32>} : memref<2048xi32, #tpu.memory_space<vmem>>, vector<16xi32>,
    tpu.vector_store %arg6[%swap3A_638], %add3A_637 {strides = array<i32>} : memref<2048xi32, #tpu.memory_space<vmem>>, vector<16xi32>,
    %add3A_640 = arith.constant 49152000 : i32
    %add3A_641 = vector.broadcast %add3A_640 : i32 to vector<16xi32>
    %add3A_642 = arith.addi %add3A_22, %add3A_641 : vector<16xi32>
    %swap3A_643 = arith.constant 1536 : index
    %swap3A_644 = tpu.vector_load %arg6[%swap3A_643] {strides = array<i32>} : memref<2048xi32, #tpu.memory_space<vmem>>, vector<16xi32>,
    tpu.vector_store %arg6[%swap3A_643], %add3A_642 {strides = array<i32>} : memref<2048xi32, #tpu.memory_space<vmem>>, vector<16xi32>,
    %add3A_645 = arith.constant 49152000 : i32
    %add3A_646 = vector.broadcast %add3A_645 : i32 to vector<16xi32>
    %add3A_647 = arith.addi %add3A_41, %add3A_646 : vector<16xi32>
    %swap3A_648 = arith.constant 1552 : index
    %swap3A_649 = tpu.vector_load %arg6[%swap3A_648] {strides = array<i32>} : memref<2048xi32, #tpu.memory_space<vmem>>, vector<16xi32>,
    tpu.vector_store %arg6[%swap3A_648], %add3A_647 {strides = array<i32>} : memref<2048xi32, #tpu.memory_space<vmem>>, vector<16xi32>,
    %add3A_650 = arith.constant 49152000 : i32
    %add3A_651 = vector.broadcast %add3A_650 : i32 to vector<16xi32>
    %add3A_652 = arith.addi %add3A_60, %add3A_651 : vector<16xi32>
    %swap3A_653 = arith.constant 1568 : index
    %swap3A_654 = tpu.vector_load %arg6[%swap3A_653] {strides = array<i32>} : memref<2048xi32, #tpu.memory_space<vmem>>, vector<16xi32>,
    tpu.vector_store %arg6[%swap3A_653], %add3A_652 {strides = array<i32>} : memref<2048xi32, #tpu.memory_space<vmem>>, vector<16xi32>,
    %add3A_655 = arith.constant 49152000 : i32
    %add3A_656 = vector.broadcast %add3A_655 : i32 to vector<16xi32>
    %add3A_657 = arith.addi %add3A_79, %add3A_656 : vector<16xi32>
    %swap3A_658 = arith.constant 1584 : index
    %swap3A_659 = tpu.vector_load %arg6[%swap3A_658] {strides = array<i32>} : memref<2048xi32, #tpu.memory_space<vmem>>, vector<16xi32>,
    tpu.vector_store %arg6[%swap3A_658], %add3A_657 {strides = array<i32>} : memref<2048xi32, #tpu.memory_space<vmem>>, vector<16xi32>,
    %add3A_660 = arith.constant 49152000 : i32
    %add3A_661 = vector.broadcast %add3A_660 : i32 to vector<16xi32>
    %add3A_662 = arith.addi %add3A_98, %add3A_661 : vector<16xi32>
    %swap3A_663 = arith.constant 1600 : index
    %swap3A_664 = tpu.vector_load %arg6[%swap3A_663] {strides = array<i32>} : memref<2048xi32, #tpu.memory_space<vmem>>, vector<16xi32>,
    tpu.vector_store %arg6[%swap3A_663], %add3A_662 {strides = array<i32>} : memref<2048xi32, #tpu.memory_space<vmem>>, vector<16xi32>,
    %add3A_665 = arith.constant 49152000 : i32
    %add3A_666 = vector.broadcast %add3A_665 : i32 to vector<16xi32>
    %add3A_667 = arith.addi %add3A_117, %add3A_666 : vector<16xi32>
    %swap3A_668 = arith.constant 1616 : index
    %swap3A_669 = tpu.vector_load %arg6[%swap3A_668] {strides = array<i32>} : memref<2048xi32, #tpu.memory_space<vmem>>, vector<16xi32>,
    tpu.vector_store %arg6[%swap3A_668], %add3A_667 {strides = array<i32>} : memref<2048xi32, #tpu.memory_space<vmem>>, vector<16xi32>,
    %add3A_670 = arith.constant 49152000 : i32
    %add3A_671 = vector.broadcast %add3A_670 : i32 to vector<16xi32>
    %add3A_672 = arith.addi %add3A_136, %add3A_671 : vector<16xi32>
    %swap3A_673 = arith.constant 1632 : index
    %swap3A_674 = tpu.vector_load %arg6[%swap3A_673] {strides = array<i32>} : memref<2048xi32, #tpu.memory_space<vmem>>, vector<16xi32>,
    tpu.vector_store %arg6[%swap3A_673], %add3A_672 {strides = array<i32>} : memref<2048xi32, #tpu.memory_space<vmem>>, vector<16xi32>,
    %add3A_675 = arith.constant 49152000 : i32
    %add3A_676 = vector.broadcast %add3A_675 : i32 to vector<16xi32>
    %add3A_677 = arith.addi %add3A_155, %add3A_676 : vector<16xi32>
    %swap3A_678 = arith.constant 1648 : index
    %swap3A_679 = tpu.vector_load %arg6[%swap3A_678] {strides = array<i32>} : memref<2048xi32, #tpu.memory_space<vmem>>, vector<16xi32>,
    tpu.vector_store %arg6[%swap3A_678], %add3A_677 {strides = array<i32>} : memref<2048xi32, #tpu.memory_space<vmem>>, vector<16xi32>,
    %add3A_680 = arith.constant 53248000 : i32
    %add3A_681 = vector.broadcast %add3A_680 : i32 to vector<16xi32>
    %add3A_682 = arith.addi %add3A_22, %add3A_681 : vector<16xi32>
    %swap3A_683 = arith.constant 1664 : index
    %swap3A_684 = tpu.vector_load %arg6[%swap3A_683] {strides = array<i32>} : memref<2048xi32, #tpu.memory_space<vmem>>, vector<16xi32>,
    tpu.vector_store %arg6[%swap3A_683], %add3A_682 {strides = array<i32>} : memref<2048xi32, #tpu.memory_space<vmem>>, vector<16xi32>,
    %add3A_685 = arith.constant 53248000 : i32
    %add3A_686 = vector.broadcast %add3A_685 : i32 to vector<16xi32>
    %add3A_687 = arith.addi %add3A_41, %add3A_686 : vector<16xi32>
    %swap3A_688 = arith.constant 1680 : index
    %swap3A_689 = tpu.vector_load %arg6[%swap3A_688] {strides = array<i32>} : memref<2048xi32, #tpu.memory_space<vmem>>, vector<16xi32>,
    tpu.vector_store %arg6[%swap3A_688], %add3A_687 {strides = array<i32>} : memref<2048xi32, #tpu.memory_space<vmem>>, vector<16xi32>,
    %add3A_690 = arith.constant 53248000 : i32
    %add3A_691 = vector.broadcast %add3A_690 : i32 to vector<16xi32>
    %add3A_692 = arith.addi %add3A_60, %add3A_691 : vector<16xi32>
    %swap3A_693 = arith.constant 1696 : index
    %swap3A_694 = tpu.vector_load %arg6[%swap3A_693] {strides = array<i32>} : memref<2048xi32, #tpu.memory_space<vmem>>, vector<16xi32>,
    tpu.vector_store %arg6[%swap3A_693], %add3A_692 {strides = array<i32>} : memref<2048xi32, #tpu.memory_space<vmem>>, vector<16xi32>,
    %add3A_695 = arith.constant 53248000 : i32
    %add3A_696 = vector.broadcast %add3A_695 : i32 to vector<16xi32>
    %add3A_697 = arith.addi %add3A_79, %add3A_696 : vector<16xi32>
    %swap3A_698 = arith.constant 1712 : index
    %swap3A_699 = tpu.vector_load %arg6[%swap3A_698] {strides = array<i32>} : memref<2048xi32, #tpu.memory_space<vmem>>, vector<16xi32>,
    tpu.vector_store %arg6[%swap3A_698], %add3A_697 {strides = array<i32>} : memref<2048xi32, #tpu.memory_space<vmem>>, vector<16xi32>,
    %add3A_700 = arith.constant 53248000 : i32
    %add3A_701 = vector.broadcast %add3A_700 : i32 to vector<16xi32>
    %add3A_702 = arith.addi %add3A_98, %add3A_701 : vector<16xi32>
    %swap3A_703 = arith.constant 1728 : index
    %swap3A_704 = tpu.vector_load %arg6[%swap3A_703] {strides = array<i32>} : memref<2048xi32, #tpu.memory_space<vmem>>, vector<16xi32>,
    tpu.vector_store %arg6[%swap3A_703], %add3A_702 {strides = array<i32>} : memref<2048xi32, #tpu.memory_space<vmem>>, vector<16xi32>,
    %add3A_705 = arith.constant 53248000 : i32
    %add3A_706 = vector.broadcast %add3A_705 : i32 to vector<16xi32>
    %add3A_707 = arith.addi %add3A_117, %add3A_706 : vector<16xi32>
    %swap3A_708 = arith.constant 1744 : index
    %swap3A_709 = tpu.vector_load %arg6[%swap3A_708] {strides = array<i32>} : memref<2048xi32, #tpu.memory_space<vmem>>, vector<16xi32>,
    tpu.vector_store %arg6[%swap3A_708], %add3A_707 {strides = array<i32>} : memref<2048xi32, #tpu.memory_space<vmem>>, vector<16xi32>,
    %add3A_710 = arith.constant 53248000 : i32
    %add3A_711 = vector.broadcast %add3A_710 : i32 to vector<16xi32>
    %add3A_712 = arith.addi %add3A_136, %add3A_711 : vector<16xi32>
    %swap3A_713 = arith.constant 1760 : index
    %swap3A_714 = tpu.vector_load %arg6[%swap3A_713] {strides = array<i32>} : memref<2048xi32, #tpu.memory_space<vmem>>, vector<16xi32>,
    tpu.vector_store %arg6[%swap3A_713], %add3A_712 {strides = array<i32>} : memref<2048xi32, #tpu.memory_space<vmem>>, vector<16xi32>,
    %add3A_715 = arith.constant 53248000 : i32
    %add3A_716 = vector.broadcast %add3A_715 : i32 to vector<16xi32>
    %add3A_717 = arith.addi %add3A_155, %add3A_716 : vector<16xi32>
    %swap3A_718 = arith.constant 1776 : index
    %swap3A_719 = tpu.vector_load %arg6[%swap3A_718] {strides = array<i32>} : memref<2048xi32, #tpu.memory_space<vmem>>, vector<16xi32>,
    tpu.vector_store %arg6[%swap3A_718], %add3A_717 {strides = array<i32>} : memref<2048xi32, #tpu.memory_space<vmem>>, vector<16xi32>,
    %add3A_720 = arith.constant 57344000 : i32
    %add3A_721 = vector.broadcast %add3A_720 : i32 to vector<16xi32>
    %add3A_722 = arith.addi %add3A_22, %add3A_721 : vector<16xi32>
    %swap3A_723 = arith.constant 1792 : index
    %swap3A_724 = tpu.vector_load %arg6[%swap3A_723] {strides = array<i32>} : memref<2048xi32, #tpu.memory_space<vmem>>, vector<16xi32>,
    tpu.vector_store %arg6[%swap3A_723], %add3A_722 {strides = array<i32>} : memref<2048xi32, #tpu.memory_space<vmem>>, vector<16xi32>,
    %add3A_725 = arith.constant 57344000 : i32
    %add3A_726 = vector.broadcast %add3A_725 : i32 to vector<16xi32>
    %add3A_727 = arith.addi %add3A_41, %add3A_726 : vector<16xi32>
    %swap3A_728 = arith.constant 1808 : index
    %swap3A_729 = tpu.vector_load %arg6[%swap3A_728] {strides = array<i32>} : memref<2048xi32, #tpu.memory_space<vmem>>, vector<16xi32>,
    tpu.vector_store %arg6[%swap3A_728], %add3A_727 {strides = array<i32>} : memref<2048xi32, #tpu.memory_space<vmem>>, vector<16xi32>,
    %add3A_730 = arith.constant 57344000 : i32
    %add3A_731 = vector.broadcast %add3A_730 : i32 to vector<16xi32>
    %add3A_732 = arith.addi %add3A_60, %add3A_731 : vector<16xi32>
    %swap3A_733 = arith.constant 1824 : index
    %swap3A_734 = tpu.vector_load %arg6[%swap3A_733] {strides = array<i32>} : memref<2048xi32, #tpu.memory_space<vmem>>, vector<16xi32>,
    tpu.vector_store %arg6[%swap3A_733], %add3A_732 {strides = array<i32>} : memref<2048xi32, #tpu.memory_space<vmem>>, vector<16xi32>,
    %add3A_735 = arith.constant 57344000 : i32
    %add3A_736 = vector.broadcast %add3A_735 : i32 to vector<16xi32>
    %add3A_737 = arith.addi %add3A_79, %add3A_736 : vector<16xi32>
    %swap3A_738 = arith.constant 1840 : index
    %swap3A_739 = tpu.vector_load %arg6[%swap3A_738] {strides = array<i32>} : memref<2048xi32, #tpu.memory_space<vmem>>, vector<16xi32>,
    tpu.vector_store %arg6[%swap3A_738], %add3A_737 {strides = array<i32>} : memref<2048xi32, #tpu.memory_space<vmem>>, vector<16xi32>,
    %add3A_740 = arith.constant 57344000 : i32
    %add3A_741 = vector.broadcast %add3A_740 : i32 to vector<16xi32>
    %add3A_742 = arith.addi %add3A_98, %add3A_741 : vector<16xi32>
    %swap3A_743 = arith.constant 1856 : index
    %swap3A_744 = tpu.vector_load %arg6[%swap3A_743] {strides = array<i32>} : memref<2048xi32, #tpu.memory_space<vmem>>, vector<16xi32>,
    tpu.vector_store %arg6[%swap3A_743], %add3A_742 {strides = array<i32>} : memref<2048xi32, #tpu.memory_space<vmem>>, vector<16xi32>,
    %add3A_745 = arith.constant 57344000 : i32
    %add3A_746 = vector.broadcast %add3A_745 : i32 to vector<16xi32>
    %add3A_747 = arith.addi %add3A_117, %add3A_746 : vector<16xi32>
    %swap3A_748 = arith.constant 1872 : index
    %swap3A_749 = tpu.vector_load %arg6[%swap3A_748] {strides = array<i32>} : memref<2048xi32, #tpu.memory_space<vmem>>, vector<16xi32>,
    tpu.vector_store %arg6[%swap3A_748], %add3A_747 {strides = array<i32>} : memref<2048xi32, #tpu.memory_space<vmem>>, vector<16xi32>,
    %add3A_750 = arith.constant 57344000 : i32
    %add3A_751 = vector.broadcast %add3A_750 : i32 to vector<16xi32>
    %add3A_752 = arith.addi %add3A_136, %add3A_751 : vector<16xi32>
    %swap3A_753 = arith.constant 1888 : index
    %swap3A_754 = tpu.vector_load %arg6[%swap3A_753] {strides = array<i32>} : memref<2048xi32, #tpu.memory_space<vmem>>, vector<16xi32>,
    tpu.vector_store %arg6[%swap3A_753], %add3A_752 {strides = array<i32>} : memref<2048xi32, #tpu.memory_space<vmem>>, vector<16xi32>,
    %add3A_755 = arith.constant 57344000 : i32
    %add3A_756 = vector.broadcast %add3A_755 : i32 to vector<16xi32>
    %add3A_757 = arith.addi %add3A_155, %add3A_756 : vector<16xi32>
    %swap3A_758 = arith.constant 1904 : index
    %swap3A_759 = tpu.vector_load %arg6[%swap3A_758] {strides = array<i32>} : memref<2048xi32, #tpu.memory_space<vmem>>, vector<16xi32>,
    tpu.vector_store %arg6[%swap3A_758], %add3A_757 {strides = array<i32>} : memref<2048xi32, #tpu.memory_space<vmem>>, vector<16xi32>,
    %add3A_760 = arith.constant 61440000 : i32
    %add3A_761 = vector.broadcast %add3A_760 : i32 to vector<16xi32>
    %add3A_762 = arith.addi %add3A_22, %add3A_761 : vector<16xi32>
    %swap3A_763 = arith.constant 1920 : index
    %swap3A_764 = tpu.vector_load %arg6[%swap3A_763] {strides = array<i32>} : memref<2048xi32, #tpu.memory_space<vmem>>, vector<16xi32>,
    tpu.vector_store %arg6[%swap3A_763], %add3A_762 {strides = array<i32>} : memref<2048xi32, #tpu.memory_space<vmem>>, vector<16xi32>,
    %add3A_765 = arith.constant 61440000 : i32
    %add3A_766 = vector.broadcast %add3A_765 : i32 to vector<16xi32>
    %add3A_767 = arith.addi %add3A_41, %add3A_766 : vector<16xi32>
    %swap3A_768 = arith.constant 1936 : index
    %swap3A_769 = tpu.vector_load %arg6[%swap3A_768] {strides = array<i32>} : memref<2048xi32, #tpu.memory_space<vmem>>, vector<16xi32>,
    tpu.vector_store %arg6[%swap3A_768], %add3A_767 {strides = array<i32>} : memref<2048xi32, #tpu.memory_space<vmem>>, vector<16xi32>,
    %add3A_770 = arith.constant 61440000 : i32
    %add3A_771 = vector.broadcast %add3A_770 : i32 to vector<16xi32>
    %add3A_772 = arith.addi %add3A_60, %add3A_771 : vector<16xi32>
    %swap3A_773 = arith.constant 1952 : index
    %swap3A_774 = tpu.vector_load %arg6[%swap3A_773] {strides = array<i32>} : memref<2048xi32, #tpu.memory_space<vmem>>, vector<16xi32>,
    tpu.vector_store %arg6[%swap3A_773], %add3A_772 {strides = array<i32>} : memref<2048xi32, #tpu.memory_space<vmem>>, vector<16xi32>,
    %add3A_775 = arith.constant 61440000 : i32
    %add3A_776 = vector.broadcast %add3A_775 : i32 to vector<16xi32>
    %add3A_777 = arith.addi %add3A_79, %add3A_776 : vector<16xi32>
    %swap3A_778 = arith.constant 1968 : index
    %swap3A_779 = tpu.vector_load %arg6[%swap3A_778] {strides = array<i32>} : memref<2048xi32, #tpu.memory_space<vmem>>, vector<16xi32>,
    tpu.vector_store %arg6[%swap3A_778], %add3A_777 {strides = array<i32>} : memref<2048xi32, #tpu.memory_space<vmem>>, vector<16xi32>,
    %add3A_780 = arith.constant 61440000 : i32
    %add3A_781 = vector.broadcast %add3A_780 : i32 to vector<16xi32>
    %add3A_782 = arith.addi %add3A_98, %add3A_781 : vector<16xi32>
    %swap3A_783 = arith.constant 1984 : index
    %swap3A_784 = tpu.vector_load %arg6[%swap3A_783] {strides = array<i32>} : memref<2048xi32, #tpu.memory_space<vmem>>, vector<16xi32>,
    tpu.vector_store %arg6[%swap3A_783], %add3A_782 {strides = array<i32>} : memref<2048xi32, #tpu.memory_space<vmem>>, vector<16xi32>,
    %add3A_785 = arith.constant 61440000 : i32
    %add3A_786 = vector.broadcast %add3A_785 : i32 to vector<16xi32>
    %add3A_787 = arith.addi %add3A_117, %add3A_786 : vector<16xi32>
    %swap3A_788 = arith.constant 2000 : index
    %swap3A_789 = tpu.vector_load %arg6[%swap3A_788] {strides = array<i32>} : memref<2048xi32, #tpu.memory_space<vmem>>, vector<16xi32>,
    tpu.vector_store %arg6[%swap3A_788], %add3A_787 {strides = array<i32>} : memref<2048xi32, #tpu.memory_space<vmem>>, vector<16xi32>,
    %add3A_790 = arith.constant 61440000 : i32
    %add3A_791 = vector.broadcast %add3A_790 : i32 to vector<16xi32>
    %add3A_792 = arith.addi %add3A_136, %add3A_791 : vector<16xi32>
    %swap3A_793 = arith.constant 2016 : index
    %swap3A_794 = tpu.vector_load %arg6[%swap3A_793] {strides = array<i32>} : memref<2048xi32, #tpu.memory_space<vmem>>, vector<16xi32>,
    tpu.vector_store %arg6[%swap3A_793], %add3A_792 {strides = array<i32>} : memref<2048xi32, #tpu.memory_space<vmem>>, vector<16xi32>,
    %add3A_795 = arith.constant 61440000 : i32
    %add3A_796 = vector.broadcast %add3A_795 : i32 to vector<16xi32>
    %add3A_797 = arith.addi %add3A_155, %add3A_796 : vector<16xi32>
    %swap3A_798 = arith.constant 2032 : index
    %swap3A_799 = tpu.vector_load %arg6[%swap3A_798] {strides = array<i32>} : memref<2048xi32, #tpu.memory_space<vmem>>, vector<16xi32>,
    tpu.vector_store %arg6[%swap3A_798], %add3A_797 {strides = array<i32>} : memref<2048xi32, #tpu.memory_space<vmem>>, vector<16xi32>,
    %dma_start3A_800 = arith.constant 1024 : i32
    %dma_start3A_801 = tpu.memref_slice %arg7[%dma_start3A_800] : memref<2048xf32, #tpu.memory_space<vmem>> -> memref<1024xf32, #tpu.memory_space<vmem>>
    %dma_start3A_802 = arith.constant 1024 : i32
    %dma_start3A_803 = tpu.memref_slice %arg6[%dma_start3A_802] : memref<2048xi32, #tpu.memory_space<vmem>> -> memref<1024xi32, #tpu.memory_space<vmem>>
    %dma_start3A_804 = arith.constant 0 : i32
    %dma_start3A_805 = tpu.memref_slice %arg2[%dma_start3A_804] : memref<65536000xf32, #tpu.memory_space<hbm>> -> memref<65536000xf32, #tpu.memory_space<hbm>>
    tpu.enqueue_indirect_dma source(%dma_start3A_805 : memref<65536000xf32, #tpu.memory_space<hbm>>) target(%dma_start3A_801 : memref<1024xf32, #tpu.memory_space<vmem>>) offsets(%dma_start3A_803 : memref<1024xi32, #tpu.memory_space<vmem>>) semaphore(%arg9 : memref<!tpu.dma_semaphore, #tpu.memory_space<semaphore_mem>>)
    %dma_wait3A = arith.constant 0 : i32
    %dma_wait3A_806 = tpu.memref_slice %arg7[%dma_wait3A] : memref<2048xf32, #tpu.memory_space<vmem>> -> memref<1024xf32, #tpu.memory_space<vmem>>
    %dma_wait3A_807 = arith.constant 0 : i32
    %dma_wait3A_808 = tpu.memref_slice %arg6[%dma_wait3A_807] : memref<2048xi32, #tpu.memory_space<vmem>> -> memref<1024xi32, #tpu.memory_space<vmem>>
    %dma_wait3A_809 = arith.constant 0 : i32
    %dma_wait3A_810 = tpu.memref_slice %arg2[%dma_wait3A_809] : memref<65536000xf32, #tpu.memory_space<hbm>> -> memref<65536000xf32, #tpu.memory_space<hbm>>
    tpu.wait_indirect_dma semaphore(%arg8 : memref<!tpu.dma_semaphore, #tpu.memory_space<semaphore_mem>>) src(%dma_wait3A_810 : memref<65536000xf32, #tpu.memory_space<hbm>>) dst(%dma_wait3A_806 : memref<1024xf32, #tpu.memory_space<vmem>>)
    %mul3A_811 = arith.constant 1024 : i32
    %mul3A_812 = arith.muli %add3A, %mul3A_811 : i32
    %dma_start3A_813 = arith.constant 0 : i32
    %dma_start3A_814 = tpu.memref_slice %arg7[%dma_start3A_813] : memref<2048xf32, #tpu.memory_space<vmem>> -> memref<1024xf32, #tpu.memory_space<vmem>>
    %dma_start3A_815 = tpu.memref_slice %arg4[%mul3A_812] : memref<65536xf32, #tpu.memory_space<hbm>> -> memref<1024xf32, #tpu.memory_space<hbm>>
    %dma_start3A_816 = tpu.memref_slice %arg4[%mul3A_812] : memref<65536xf32, #tpu.memory_space<hbm>> -> memref<1024xf32, #tpu.memory_space<hbm>>
    %dma_start3A_817 = arith.constant 0 : i32
    %dma_start3A_818 = tpu.memref_slice %arg7[%dma_start3A_817] : memref<2048xf32, #tpu.memory_space<vmem>> -> memref<1024xf32, #tpu.memory_space<vmem>>
    tpu.enqueue_dma source(%dma_start3A_818 : memref<1024xf32, #tpu.memory_space<vmem>>) target(%dma_start3A_816 : memref<1024xf32, #tpu.memory_space<hbm>>) target_semaphore(%arg10 : memref<!tpu.dma_semaphore, #tpu.memory_space<semaphore_mem>>)
    %dma_wait3A_819 = arith.constant 1024 : i32
    %dma_wait3A_820 = tpu.memref_slice %arg7[%dma_wait3A_819] : memref<2048xf32, #tpu.memory_space<vmem>> -> memref<1024xf32, #tpu.memory_space<vmem>>
    %dma_wait3A_821 = arith.constant 1024 : i32
    %dma_wait3A_822 = tpu.memref_slice %arg6[%dma_wait3A_821] : memref<2048xi32, #tpu.memory_space<vmem>> -> memref<1024xi32, #tpu.memory_space<vmem>>
    %dma_wait3A_823 = arith.constant 0 : i32
    %dma_wait3A_824 = tpu.memref_slice %arg2[%dma_wait3A_823] : memref<65536000xf32, #tpu.memory_space<hbm>> -> memref<65536000xf32, #tpu.memory_space<hbm>>
    tpu.wait_indirect_dma semaphore(%arg9 : memref<!tpu.dma_semaphore, #tpu.memory_space<semaphore_mem>>) src(%dma_wait3A_824 : memref<65536000xf32, #tpu.memory_space<hbm>>) dst(%dma_wait3A_820 : memref<1024xf32, #tpu.memory_space<vmem>>)
    %mul3A_825 = arith.constant 1024 : i32
    %mul3A_826 = arith.muli %add3A, %mul3A_825 : i32
    %add3A_827 = arith.constant 32768 : i32
    %add3A_828 = arith.addi %add3A_827, %mul3A_826 : i32
    %dma_start3A_829 = arith.constant 1024 : i32
    %dma_start3A_830 = tpu.memref_slice %arg7[%dma_start3A_829] : memref<2048xf32, #tpu.memory_space<vmem>> -> memref<1024xf32, #tpu.memory_space<vmem>>
    %dma_start3A_831 = tpu.memref_slice %arg4[%add3A_828] : memref<65536xf32, #tpu.memory_space<hbm>> -> memref<1024xf32, #tpu.memory_space<hbm>>
    %dma_start3A_832 = tpu.memref_slice %arg4[%add3A_828] : memref<65536xf32, #tpu.memory_space<hbm>> -> memref<1024xf32, #tpu.memory_space<hbm>>
    %dma_start3A_833 = arith.constant 1024 : i32
    %dma_start3A_834 = tpu.memref_slice %arg7[%dma_start3A_833] : memref<2048xf32, #tpu.memory_space<vmem>> -> memref<1024xf32, #tpu.memory_space<vmem>>
    tpu.enqueue_dma source(%dma_start3A_834 : memref<1024xf32, #tpu.memory_space<vmem>>) target(%dma_start3A_832 : memref<1024xf32, #tpu.memory_space<hbm>>) target_semaphore(%arg10 : memref<!tpu.dma_semaphore, #tpu.memory_space<semaphore_mem>>)
    %dma_wait3A_835 = arith.constant 0 : i32
    %dma_wait3A_836 = tpu.memref_slice %arg7[%dma_wait3A_835] : memref<2048xf32, #tpu.memory_space<vmem>> -> memref<1024xf32, #tpu.memory_space<vmem>>
    %dma_wait3A_837 = tpu.memref_slice %arg4[%mul3A_812] : memref<65536xf32, #tpu.memory_space<hbm>> -> memref<1024xf32, #tpu.memory_space<hbm>>
    %dma_wait3A_838 = tpu.memref_slice %arg4[%mul3A_812] : memref<65536xf32, #tpu.memory_space<hbm>> -> memref<1024xf32, #tpu.memory_space<hbm>>
    %dma_wait3A_839 = arith.constant 0 : i32
    %dma_wait3A_840 = tpu.memref_slice %arg7[%dma_wait3A_839] : memref<2048xf32, #tpu.memory_space<vmem>> -> memref<1024xf32, #tpu.memory_space<vmem>>
    tpu.wait_dma2 semaphore(%arg10 : memref<!tpu.dma_semaphore, #tpu.memory_space<semaphore_mem>>) src(%dma_wait3A_840 : memref<1024xf32, #tpu.memory_space<vmem>>) dst(%dma_wait3A_838 : memref<1024xf32, #tpu.memory_space<hbm>>)
    %dma_wait3A_841 = arith.constant 1024 : i32
    %dma_wait3A_842 = tpu.memref_slice %arg7[%dma_wait3A_841] : memref<2048xf32, #tpu.memory_space<vmem>> -> memref<1024xf32, #tpu.memory_space<vmem>>
    %dma_wait3A_843 = tpu.memref_slice %arg4[%add3A_828] : memref<65536xf32, #tpu.memory_space<hbm>> -> memref<1024xf32, #tpu.memory_space<hbm>>
    %dma_wait3A_844 = tpu.memref_slice %arg4[%add3A_828] : memref<65536xf32, #tpu.memory_space<hbm>> -> memref<1024xf32, #tpu.memory_space<hbm>>
    %dma_wait3A_845 = arith.constant 1024 : i32
    %dma_wait3A_846 = tpu.memref_slice %arg7[%dma_wait3A_845] : memref<2048xf32, #tpu.memory_space<vmem>> -> memref<1024xf32, #tpu.memory_space<vmem>>
    tpu.wait_dma2 semaphore(%arg10 : memref<!tpu.dma_semaphore, #tpu.memory_space<semaphore_mem>>) src(%dma_wait3A_846 : memref<1024xf32, #tpu.memory_space<vmem>>) dst(%dma_wait3A_844 : memref<1024xf32, #tpu.memory_space<hbm>>)
    return
  }
}

module attributes {stable_mosaic.version = 14 : i64} {
  func.func @_tc_loss_body(%arg0: memref<512x128xf32, #tpu.memory_space<vmem>>, %arg1: memref<512x128xf32, #tpu.memory_space<vmem>>, %arg2: memref<1x1xf32, #tpu.memory_space<smem>>) attributes {dimension_semantics = [], scalar_prefetch = 0 : i64, scratch_operands = 0 : i64, tpu.core_type = #tpu.core_type<tc>} {
    %get3A = arith.constant 0 : index
    %get3A_0 = arith.constant 0 : index
    %get3A_1 = vector.load %arg0[%get3A, %get3A_0] : memref<512x128xf32, #tpu.memory_space<vmem>>, vector<512x128xf32>
    %add3A = arith.constant 1.000000e-15 : f32
    %add3A_2 = vector.broadcast %add3A : f32 to vector<512x128xf32>
    %add3A_3 = arith.addf %get3A_1, %add3A_2 : vector<512x128xf32>
    %log3A = math.log %add3A_3 : vector<512x128xf32>
    %get3A_4 = arith.constant 0 : index
    %get3A_5 = arith.constant 0 : index
    %get3A_6 = vector.load %arg1[%get3A_4, %get3A_5] : memref<512x128xf32, #tpu.memory_space<vmem>>, vector<512x128xf32>
    %sub3A = arith.subf %get3A_6, %log3A : vector<512x128xf32>
    %abs3A = math.absf %sub3A : vector<512x128xf32>
    %reduce_sum3A = vector.shape_cast %abs3A : vector<512x128xf32> to vector<1x512x128xf32>
    %reduce_sum3A_7 = arith.constant dense<0.000000e+00> : vector<1xf32>
    %reduce_sum3A_8 = vector.multi_reduction <add>, %reduce_sum3A, %reduce_sum3A_7 [1, 2] : vector<1x512x128xf32> to vector<1xf32>
    %reduce_sum3A_9 = vector.shape_cast %reduce_sum3A_8 : vector<1xf32> to vector<1x1x1xf32>
    %reduce_sum3A_10 = vector.extract %reduce_sum3A_9[0, 0, 0] : f32 from vector<1x1x1xf32>
    %mul3A = arith.constant 2.44140625E-4 : f32
    %mul3A_11 = arith.mulf %reduce_sum3A_10, %mul3A : f32
    %swap3A = arith.constant 0 : index
    %swap3A_12 = arith.constant 0 : index
    %swap3A_13 = memref.load %arg2[%swap3A, %swap3A_12] : memref<1x1xf32, #tpu.memory_space<smem>>
    memref.store %mul3A_11, %arg2[%swap3A, %swap3A_12] : memref<1x1xf32, #tpu.memory_space<smem>>
    return
  }
}

</mosaic_0001>

<sc_bundles>
// kernel: kernel.4.cloned.1.call-start
scs
__scs_entry_jumppad:
0x0: {  	(pc) =	sbr.rel $0x88, $3  }
0x1: {  	(tag) =	ssettag $0x0;
	lr =	simm.s32 $0x1  }
0x2: {  	[smem:$0x3F9E] =	sst lr;
	_ =	strace $0xD0000000  }
0x3: {  	_ = 	snop  }
0x4: {  	_ = 	snop  }
0x5: {  	_ = 	snop  }
0x6: {  	_ = 	snop  }
0x7: {  	_ = 	snop  }
__scs_overlays_trampoline_lowered:
0x8: {  	[smem:$0x3FAD] =	sst s0  }
0x9: {  	[smem:$0x3FAE] =	sst s1  }
0xa: {  	[smem:$0x3FAF] =	sst s2  }
0xb: {  	[smem:$0x3FB0] =	sst s3  }
0xc: {  	[smem:$0x3FB1] =	sst s4  }
0xd: {  	[smem:$0x3FB2] =	sst s5  }
0xe: {  	[smem:$0x3FB3] =	sst s6  }
0xf: {  	[smem:$0x3FB4] =	sst s7  }
0x10: {  	[smem:$0x3FB5] =	sst s8  }
0x11: {  	[smem:$0x3FB6] =	sst s9;
	s0 =	simm.s32 @!p0 $0x0  }
0x12: {  	s1 =	sld [smem:$0x3F9C];
	s0 =	simm.s32 @p0 $0x1  }
0x13: {  	[smem:$0x3FB7] =	sst s0;
	s0 =	simm.s32 @!p1 $0x0  }
0x14: {  	s2 =	sld [smem:$0x3F9B];
	s0 =	simm.s32 @p1 $0x1  }
0x15: {  	[smem:$0x3FB8] =	sst s0;
	s0 =	simm.s32 @!p2 $0x0  }
0x16: {  	s3 =	sld [smem:$0x3FDB];
	s0 =	simm.s32 @p2 $0x1  }
0x17: {  	s4 =	simm.s32 $0x1BF5;
	[smem:$0x3FBA] =	sst s0  }
0x18: {  	s0 =	sld [smem:$0x3F9D];
	_ =	swait.ge [sflag:s4], $0x0  }
0x19: {  	s7 =	sld [smem:$0x3F9E]  }
0x1a: {  	s8 =	sadd.s32 $0xFFFFE003, lr  }
0x1b: {  	s9 =	sadd.s32 $0xFFFFFEF7, lr;
	s5 =	simm.s32 $0xFFFFFFFF;
	p2 =	slt.u32 s8, $0xFFFFF086  }
0x1c: {  	p1 =	slt.u32 s9, $0xF7A;
	s5 =	simm.s32 @!p2 $0x0  }
0x1d: {  	s5 =	simm.s32 @p1 $0x1;
	p0 =	seq.s32 s7, s2  }
0x1e: {  	s7 =	smul.u32 @!p0 $0xF7A, s2;
	p2 =	seq.s32 @!p0 s5, $0x0  }
0x1f: {  	s9 =	smul.u32 $0xF7A, s1;
	s8 =	simm.s32 @!p0 $0x1BF5;
	p2 =	por !p2, p0  }
0x20: {  	[sflag:s8] =	ssyncset.s32 @!p0 $0xFFFFF086;
	s6 =	sadd.s32 @!p0 s3, s7;
	s7 =	simm.s32 @!p0 $0x108  }
0x21: {  	s3 =	sadd.s32 s3, s9;
	s6 =	sadd.s32 @!p0 $0x88, s6;
	s7 =	simm.s32 @p2 $0x1082  }
0x22: {  	[simem:s7], [sflag:s8] =	dma.local @!p0 [hbm:s6], $0xF7A  }
0x23: {  	s9 =	sor.u32 $0xD0000000, s2;
	s6 =	simm.s32 $0x108;
	_ =	swait.ge @!p0 [sflag:s8], $0x0  }
0x24: {  	s3 =	sadd.s32 $0x88, s3;
	s6 =	simm.s32 @!p1 $0x1082;
	[sflag:s4] =	ssyncset.s32 $0xFFFFF086  }
0x25: {  	[simem:s6], [sflag:s4] =	dma.local [hbm:s3], $0xF7A  }
0x26: {  	[smem:$0x3F9E] =	sst s1;
	(tag) =	ssettag s2;
	_ =	strace s9  }
0x27: {  	s1 =	sld [smem:$0x3FAE]  }
0x28: {  	s2 =	sld [smem:$0x3FAF]  }
0x29: {  	s4 =	sld [smem:$0x3FB1]  }
0x2a: {  	p0 =	seq.s32 s5, $0x0;
	s5 =	sld [smem:$0x3FB2]  }
0x2b: {  	s6 =	sld [smem:$0x3FB3]  }
0x2c: {  	s7 =	sld [smem:$0x3FB4]  }
0x2d: {  	s3 =	simm.s32 $0x108;
	s8 =	sld [smem:$0x3FB5]  }
0x2e: {  	s3 =	simm.s32 @!p0 $0x1082;
	s9 =	sld [smem:$0x3FB6]  }
0x2f: {  	lr =	sadd.s32 s0, s3;
	s0 =	sld [smem:$0x3FAD]  }
0x30: {  	s3 =	sld [smem:$0x3FB0]  }
0x31: {  	[smem:$0x3FB9] =	sst s10  }
0x32: {  	s10 =	sld [smem:$0x3FB7];
	_ =	sdelay $0x3  }
0x33: {  	p0 =	seq.s32 s10, $0x1;
	s10 =	sld [smem:$0x3FB9];
	_ =	sdelay $0x3  }
0x34: {  	[smem:$0x3FB9] =	sst s10  }
0x35: {  	s10 =	sld [smem:$0x3FB8];
	_ =	sdelay $0x3  }
0x36: {  	p1 =	seq.s32 s10, $0x1;
	s10 =	sld [smem:$0x3FB9];
	_ =	sdelay $0x3  }
0x37: {  	[smem:$0x3FB9] =	sst s10  }
0x38: {  	s10 =	sld [smem:$0x3FBA]  }
0x39: {  	_ = 	snop;
	(pc) =	sbr.ind lr, $3  }
0x3a: {  	_ = 	snop  }
0x3b: {  	_ = 	snop  }
0x3c: {  	p2 =	seq.s32 s10, $0x1;
	s10 =	sld [smem:$0x3FB9]  }
0x3d: {  	_ =	shalt  }
0x3e: {  	_ =	shalt  }
0x3f: {  	_ =	shalt  }
0x40: {  	_ =	shalt  }
0x41: {  	_ =	shalt  }
0x42: {  	_ =	shalt  }
0x43: {  	_ =	shalt  }
0x44: {  	_ =	shalt  }
0x45: {  	_ =	shalt  }
0x46: {  	_ =	shalt  }
0x47: {  	_ =	shalt  }
0x48: {  	_ =	shalt  }
0x49: {  	_ =	shalt  }
0x4a: {  	_ =	shalt  }
0x4b: {  	_ =	shalt  }
0x4c: {  	_ =	shalt  }
0x4d: {  	_ =	shalt  }
0x4e: {  	_ =	shalt  }
0x4f: {  	_ =	shalt  }
0x50: {  	_ =	shalt  }
0x51: {  	_ =	shalt  }
0x52: {  	_ =	shalt  }
0x53: {  	_ =	shalt  }
0x54: {  	_ =	shalt  }
0x55: {  	_ =	shalt  }
0x56: {  	_ =	shalt  }
0x57: {  	_ =	shalt  }
0x58: {  	_ =	shalt  }
0x59: {  	_ =	shalt  }
0x5a: {  	_ =	shalt  }
0x5b: {  	_ =	shalt  }
0x5c: {  	_ =	shalt  }
0x5d: {  	_ =	shalt  }
0x5e: {  	_ =	shalt  }
0x5f: {  	_ =	shalt  }
0x60: {  	_ =	shalt  }
0x61: {  	_ =	shalt  }
0x62: {  	_ =	shalt  }
0x63: {  	_ =	shalt  }
0x64: {  	_ =	shalt  }
0x65: {  	_ =	shalt  }
0x66: {  	_ =	shalt  }
0x67: {  	_ =	shalt  }
0x68: {  	_ =	shalt  }
0x69: {  	_ =	shalt  }
0x6a: {  	_ =	shalt  }
0x6b: {  	_ =	shalt  }
0x6c: {  	_ =	shalt  }
0x6d: {  	_ =	shalt  }
0x6e: {  	_ =	shalt  }
0x6f: {  	_ =	shalt  }
0x70: {  	_ =	shalt  }
0x71: {  	_ =	shalt  }
0x72: {  	_ =	shalt  }
0x73: {  	_ =	shalt  }
0x74: {  	_ =	shalt  }
0x75: {  	_ =	shalt  }
0x76: {  	_ =	shalt  }
0x77: {  	_ =	shalt  }
0x78: {  	_ =	shalt  }
0x79: {  	_ =	shalt  }
0x7a: {  	_ =	shalt  }
0x7b: {  	_ =	shalt  }
0x7c: {  	_ =	shalt  }
0x7d: {  	_ =	shalt  }
0x7e: {  	_ =	shalt  }
0x7f: {  	_ =	shalt  }
0x80: {  	_ =	shalt  }
0x81: {  	_ =	shalt  }
0x82: {  	_ =	shalt  }
0x83: {  	_ =	shalt  }
0x84: {  	_ =	shalt  }
0x85: {  	_ =	shalt  }
0x86: {  	_ =	shalt  }
0x87: {  	_ =	shalt  }
.Lfunc_end0:
.L_simem_size_0:
called_computation_lowered:
.L_overlay_start_0:
0x88: {  	s2 =	sld [smem:$0x3FD9]  }
0x89: {  	s3 =	sld [smem:$0x3FFE];
	_ =	sdelay $0x1  }
0x8a: {  	s1 =	srdreg.scid  }
0x8b: {  	s0 =	sand.u32 $0x1, s1  }
0x8c: {  	s17 =	sshll.u32 s0, $0xA;
	s2 =	sadd.s32 s3, s2  }
0x8d: {  	s2 =	sadd.s32 s2, s17  }
0x8e: {  	[smem:$0x3FC5] =	sst s2  }
0x8f: {  	_ = 	snop  }
0x90: {  	s2 =	sld [smem:$0x3FC9]  }
0x91: {  	s18 =	sld [smem:$0x3FC7];
	(tm) =	ssettm $0x1  }
0x92: {  	s4 =	sld [smem:$0x3FFB];
	_ =	sdelay $0x3  }
0x93: {  	_ =	strace s4  }
0x94: {  	s4 =	sld [smem:$0x3FFC];
	_ =	sdelay $0x3  }
0x95: {  	_ =	strace s4  }
0x96: {  	s4 =	sld [smem:$0x3FFD];
	_ =	sdelay $0x3  }
0x97: {  	_ =	strace s4  }
0x98: {  	_ =	strace $0x8FFFFFFF  }
0x99: {  	s19 =	sld [smem:$0x3FDB];
	_ =	sdelay $0x1  }
0x9a: {  	s5 =	simm.s32 $_scs_section_size  }
0x9b: {  	s6 =	simm.s32 $_size__tile_overlayer_lowered;
	s7 =	simm.s32 $_tile_overlayer_lowered  }
0x9c: {  	s22 =	simm.s32 $0x1BFF;
	s21 =	sshll.u32 s7, $0x1;
	s4 =	sadd.s32 s5, s19  }
0x9d: {  	s8 =	simm.s32 $0x0;
	s20 =	sshll.u32 s6, $0x1;
	s6 =	sadd.s32 s21, s4  }
0x9e: {  	[timem:s8], [sflag:s22] =	dma.local [hbm:s6], s20  }
0x9f: {  	_ =	swait.ge [sflag:s22], s20  }
0xa0: {  	s5 =	ssub.s32 $0x0, s20;
	[sflag:s22] =	ssyncset.done $0x0  }
0xa1: {  	[sflag:s22] =	ssyncadd.s32 s5;
	_ =	sdelay $0x1  }
0xa2: {  	s23 =	simm.s32 $0x1B8B  }
0xa3: {  	_ =	swait.ge [sflag:s23], $0x1  }
0xa4: {  	[sflag:s23] =	ssyncset.done $0x0  }
0xa5: {  	s25 =	simm.s32 $0x1B8E;
	s24 =	sld [smem:$0x3FFE];
	[sflag:s23] =	ssyncadd.s32 $0xFFFFFFFF  }
0xa6: {  	s26 =	simm.s32 $execute0_lowered;
	[smem:$0x3FD2] =	sst s25  }
0xa7: {  	s6 =	sshll.u32 s26, $0x1;
	_ =	strace $0x80000046;
	[dreg:$0x1] =	wrdreg $0xFFFFFFFF  }
0xa8: {  	s28 =	simm.s32 $_size_execute0_lowered;
	s4 =	sadd.s32 s4, s6;
	[dreg:$0x0] =	wrdreg $0x0  }
0xa9: {  	s6 =	sshll.u32 s28, $0x1;
	[dreg:$0x2] =	wrdreg s4  }
0xaa: {  	[dreg:$0x3] =	wrdreg s6  }
0xab: {  	[dreg:$0x4] =	wrdreg $0xC0  }
0xac: {  	_ =	task [dreg:s8], $0x5FFFF  }
0xad: {  	[dreg:$0x1] =	wrdreg $0xFFFFFFFF  }
0xae: {  	[dreg:$0x0] =	wrdreg $0x60  }
0xaf: {  	[dreg:$0x2] =	wrdreg s2  }
0xb0: {  	[dreg:$0x3] =	wrdreg s18  }
0xb1: {  	[dreg:$0x4] =	wrdreg s24  }
0xb2: {  	[dreg:$0x5] =	wrdreg $0x9  }
0xb3: {  	_ =	task.clear_ibuf [dreg:s8], $0x6FFFF;
	_ =	strace $0x90000046  }
0xb4: {  	s29 =	simm.s32 $0x9;
	_ =	strace $0x80000048  }
0xb5: {  	_ =	swait.ge [sflag:s29], $0x1  }
0xb6: {  	[sflag:s29] =	ssyncadd.s32 $0xFFFFFFFF  }
0xb7: {  	_ =	strace $0x90000048  }
0xb8: {  	_ =	sfence  }
0xb9: {  	s30 =	sld [smem:$0x0];
	_ =	sdelay $0x2  }
0xba: {  	s31 =	sshll.u32 s1, $0xD;
	s1 =	sshrl.u32 s1, $0x2  }
0xbb: {  	s3 =	sand.u32 $0x4000, s31;
	s1 =	sadd.s32 s1, s30  }
0xbc: {  	s0 =	sor.u32 s3, s0;
	s1 =	sshll.u32 s1, $0x11  }
0xbd: {  	s0 =	sor.u32 s1, s0  }
0xbe: {  	s0 =	sadd.s32 $0x8F2B, s0  }
0xbf: {  	[sflag:s0] =	ssyncadd.remote.s32 $0x1  }
0xc0: {  	_ =	sfence.sel $0xFFFF  }
0xc1: {  	[dreg:$0x0] =	wrdreg $0xFFFFFFFF;
	(pc) =	sbr.abs _section_cstart, $3  }
0xc2: {  	[dreg:$0x1] =	wrdreg $0xFFFFFFFF  }
0xc3: {  	_ =	task.clear_ibuf [dreg:s8], $0x2FFFF;
	_ =	strace $0x9FFFFFFF  }
0xc4: {  	(tm) =	ssettm $0x7FFFFFFF  }
0xc5: {  	_ =	shalt  }
tec
execute0_lowered:
.L_overlay_start_1:
0x0: {  	(tag) =	ssettag $0x1  }
0x1: {  	s1 =	rddreg [dreg:$0x0]  }
0x2: {  	s4 =	rddreg [dreg:$0x1]  }
0x3: {  	s5 =	rddreg [dreg:$0x2]  }
0x4: {  	s0 =	rddreg [dreg:$0x3];
	s6 =	srdreg.scid  }
0x5: {  	s2 =	stileid.u32;
	s3 =	simm.s32 $0x0;
	s11 =	simm.s32 $0x880  }
0x6: {  	s12 =	simm.s32 $0x480;
	s13 =	simm.s32 $0xC80;
	s15 =	simm.s32 $0x2  }
0x7: {  	v5 =	vlaneseq.u32;
	s6 =	sand.u32 $0x1, s6;
	s7 =	sshll.u32 s2, $0x1;
	[smem:$0x7FF] =	sst s3  }
0x8: {  	s16 =	simm.s32 $0x3;
	v1 =	vor.u32 $0x10, v5;
	v2 =	vor.u32 $0x20, v5;
	v3 =	vor.u32 $0x30, v5;
	s7 =	sor.u32 s6, s7;
	_ =	strace $0x80000047  }
0x9: {  	v4 =	vor.u32 $0x40, v5;
	v6 =	vor.u32 $0x50, v5;
	v7 =	vor.u32 $0x60, v5;
	s6 =	ssub.s32 $0x2, s6;
	s8 =	sshll.u32 s7, $0x7;
	s14 =	sshll.u32 s7, $0xA  }
0xa: {  	v8 =	vor.u32 $0x70, v5;
	s9 =	sshrl.u32 s6, $0x1;
	s10 =	sshll.u32 s7, $0x4;
	s30 =	sadd.s32 s8, s5;
	v0 =	vor.u32 s14, v5;
	v1 =	vor.u32 s14, v1  }
0xb: {  	s31 =	ssub.s32 s6, s9;
	s4 =	sadd.s32 s4, s10;
	v2 =	vor.u32 s14, v2;
	v3 =	vor.u32 s14, v3;
	v4 =	vor.u32 s14, v4;
	s8 =	simm.s32 $0x4  }
0xc: {  	s9 =	simm.s32 $0x400;
	s10 =	simm.s32 $0x80;
	v5 =	vor.u32 s14, v6;
	v6 =	vor.u32 s14, v7;
	v7 =	vor.u32 s14, v8;
	s14 =	simm.s32 $0x1  }
0xd: {  	s5 =	sadd.s32 $0x800, s30;
	s6 =	sadd.s32 $0x1800, s30;
	s7 =	smax.u32 s31, $0x1  }
.LBB2_1:
0xe: {  	[tilespmem:s3], [sflag:$0x4] =	stream.linear.gather [hbm4b:s4+s3], $0x80, $0x38;
	[tilespmem:$0x1080] =	vst v63  }
0xf: {  	_ =	swait.ge [sflag:s8], $0x80  }
0x10: {  	[sflag:s8] =	ssyncset.done $0x0  }
0x11: {  	[sflag:s8] =	ssyncadd.s32 $0xFFFFFF80  }
0x12: {  	v8 =	vld [tilespmem:$0x0]  }
0x13: {  	v9 =	vld [tilespmem:$0x10]  }
0x14: {  	v10 =	vld [tilespmem:$0x20]  }
0x15: {  	v12 =	vld [tilespmem:$0x30];
	_ =	sdelay $0x2  }
0x16: {  	v11 =	vshll.u32 v8, $0xC;
	v8 =	vshll.u32 v8, $0x7  }
0x17: {  	v13 =	vshll.u32 v9, $0x7;
	v9 =	vshll.u32 v9, $0xC;
	v29 =	vshll.u32 v10, $0xC  }
0x18: {  	v10 =	vshll.u32 v10, $0x7;
	v15 =	vshll.u32 v12, $0x7;
	v12 =	vshll.u32 v12, $0xC  }
0x19: {  	v11 =	vand.u32 $0xFFFF8000, v11;
	v8 =	vand.u32 $0x380, v8;
	v13 =	vand.u32 $0x380, v13  }
0x1a: {  	v9 =	vand.u32 $0xFFFF8000, v9;
	v10 =	vand.u32 $0x380, v10;
	v8 =	vor.u32 v8, v0  }
0x1b: {  	v15 =	vand.u32 $0x380, v15;
	v27 =	vor.u32 v13, v1;
	v8 =	vor.u32 v11, v8  }
0x1c: {  	v10 =	vor.u32 v10, v2;
	v9 =	vor.u32 v9, v27;
	v11 =	vand.u32 $0xFFFF8000, v29;
	[tilespmem:$0x80] =	vst v8  }
0x1d: {  	v28 =	vld [tilespmem:$0x40];
	v30 =	vand.u32 $0xFFFF8000, v12;
	v31 =	vor.u32 v15, v3;
	v10 =	vor.u32 v11, v10;
	[tilespmem:$0x90] =	vst v9  }
0x1e: {  	v14 =	vld [tilespmem:$0x50];
	v11 =	vor.u32 v30, v31;
	[tilespmem:$0xA0] =	vst v10  }
0x1f: {  	v32 =	vld [tilespmem:$0x60];
	v40 =	vadd.s32 $0x3E8000, v8;
	[tilespmem:$0xB0] =	vst v11  }
0x20: {  	v16 =	vld [tilespmem:$0x70];
	v41 =	vadd.s32 $0x3E8000, v9;
	[tilespmem:$0x100] =	vst v40  }
0x21: {  	v48 =	vadd.s32 $0x7D0000, v8;
	[tilespmem:$0x110] =	vst v41  }
0x22: {  	v49 =	vadd.s32 $0x7D0000, v9;
	[tilespmem:$0x180] =	vst v48  }
0x23: {  	v33 =	vshll.u32 v28, $0xC;
	v56 =	vadd.s32 $0xBB8000, v8;
	[tilespmem:$0x190] =	vst v49  }
0x24: {  	v17 =	vshll.u32 v14, $0x7;
	v14 =	vshll.u32 v14, $0xC;
	v57 =	vadd.s32 $0xBB8000, v9;
	[tilespmem:$0x200] =	vst v56  }
0x25: {  	v36 =	vshll.u32 v32, $0xC;
	v37 =	vshll.u32 v16, $0x7;
	v20 =	vadd.s32 $0xFA0000, v8;
	[tilespmem:$0x210] =	vst v57  }
0x26: {  	v12 =	vand.u32 $0xFFFF8000, v33;
	v17 =	vand.u32 $0x380, v17;
	v21 =	vadd.s32 $0xFA0000, v9;
	[tilespmem:$0x280] =	vst v20  }
0x27: {  	v34 =	vand.u32 $0xFFFF8000, v14;
	v13 =	vshll.u32 v28, $0x7;
	v28 =	vadd.s32 $0x1388000, v8;
	[tilespmem:$0x290] =	vst v21  }
0x28: {  	v14 =	vand.u32 $0xFFFF8000, v36;
	v35 =	vor.u32 v17, v5;
	v29 =	vadd.s32 $0x1388000, v9;
	[tilespmem:$0x300] =	vst v28  }
0x29: {  	v15 =	vshll.u32 v32, $0x7;
	v13 =	vand.u32 $0x380, v13;
	v36 =	vadd.s32 $0x1770000, v8;
	[tilespmem:$0x310] =	vst v29  }
0x2a: {  	v17 =	vand.u32 $0x380, v37;
	v13 =	vor.u32 v13, v4;
	v37 =	vadd.s32 $0x1770000, v9;
	[tilespmem:$0x380] =	vst v36  }
0x2b: {  	v15 =	vand.u32 $0x380, v15;
	v12 =	vor.u32 v12, v13;
	[tilespmem:$0x390] =	vst v37  }
0x2c: {  	v16 =	vshll.u32 v16, $0xC;
	v15 =	vor.u32 v15, v6;
	v13 =	vor.u32 v34, v35;
	[tilespmem:$0xC0] =	vst v12  }
0x2d: {  	v38 =	vand.u32 $0xFFFF8000, v16;
	v39 =	vor.u32 v17, v7;
	v14 =	vor.u32 v14, v15;
	[tilespmem:$0xD0] =	vst v13  }
0x2e: {  	v15 =	vor.u32 v38, v39;
	[tilespmem:$0xE0] =	vst v14  }
0x2f: {  	v42 =	vadd.s32 $0x3E8000, v10;
	[tilespmem:$0xF0] =	vst v15  }
0x30: {  	v43 =	vadd.s32 $0x3E8000, v11;
	[tilespmem:$0x120] =	vst v42  }
0x31: {  	v50 =	vadd.s32 $0x7D0000, v10;
	[tilespmem:$0x130] =	vst v43  }
0x32: {  	v51 =	vadd.s32 $0x7D0000, v11;
	[tilespmem:$0x1A0] =	vst v50  }
0x33: {  	v58 =	vadd.s32 $0xBB8000, v10;
	[tilespmem:$0x1B0] =	vst v51  }
0x34: {  	v59 =	vadd.s32 $0xBB8000, v11;
	[tilespmem:$0x220] =	vst v58  }
0x35: {  	v22 =	vadd.s32 $0xFA0000, v10;
	[tilespmem:$0x230] =	vst v59  }
0x36: {  	v23 =	vadd.s32 $0xFA0000, v11;
	[tilespmem:$0x2A0] =	vst v22  }
0x37: {  	v30 =	vadd.s32 $0x1388000, v10;
	[tilespmem:$0x2B0] =	vst v23  }
0x38: {  	v31 =	vadd.s32 $0x1388000, v11;
	[tilespmem:$0x320] =	vst v30  }
0x39: {  	v38 =	vadd.s32 $0x1770000, v10;
	[tilespmem:$0x330] =	vst v31  }
0x3a: {  	v39 =	vadd.s32 $0x1770000, v11;
	[tilespmem:$0x3A0] =	vst v38  }
0x3b: {  	v44 =	vadd.s32 $0x3E8000, v12;
	[tilespmem:$0x3B0] =	vst v39  }
0x3c: {  	v45 =	vadd.s32 $0x3E8000, v13;
	[tilespmem:$0x140] =	vst v44  }
0x3d: {  	v46 =	vadd.s32 $0x3E8000, v14;
	[tilespmem:$0x150] =	vst v45  }
0x3e: {  	v47 =	vadd.s32 $0x3E8000, v15;
	[tilespmem:$0x160] =	vst v46  }
0x3f: {  	v52 =	vadd.s32 $0x7D0000, v12;
	[tilespmem:$0x170] =	vst v47  }
0x40: {  	v53 =	vadd.s32 $0x7D0000, v13;
	[tilespmem:$0x1C0] =	vst v52  }
0x41: {  	v54 =	vadd.s32 $0x7D0000, v14;
	[tilespmem:$0x1D0] =	vst v53  }
0x42: {  	v55 =	vadd.s32 $0x7D0000, v15;
	[tilespmem:$0x1E0] =	vst v54  }
0x43: {  	v60 =	vadd.s32 $0xBB8000, v12;
	[tilespmem:$0x1F0] =	vst v55  }
0x44: {  	v61 =	vadd.s32 $0xBB8000, v13;
	[tilespmem:$0x240] =	vst v60  }
0x45: {  	v62 =	vadd.s32 $0xBB8000, v14;
	[tilespmem:$0x250] =	vst v61  }
0x46: {  	v63 =	vadd.s32 $0xBB8000, v15;
	[tilespmem:$0x260] =	vst v62  }
0x47: {  	v24 =	vadd.s32 $0xFA0000, v12;
	[tilespmem:$0x270] =	vst v63  }
0x48: {  	v25 =	vadd.s32 $0xFA0000, v13;
	[tilespmem:$0x2C0] =	vst v24  }
0x49: {  	v26 =	vadd.s32 $0xFA0000, v14;
	[tilespmem:$0x2D0] =	vst v25  }
0x4a: {  	v27 =	vadd.s32 $0xFA0000, v15;
	[tilespmem:$0x2E0] =	vst v26  }
0x4b: {  	v32 =	vadd.s32 $0x1388000, v12;
	[tilespmem:$0x2F0] =	vst v27  }
0x4c: {  	v33 =	vadd.s32 $0x1388000, v13;
	[tilespmem:$0x340] =	vst v32  }
0x4d: {  	v34 =	vadd.s32 $0x1388000, v14;
	[tilespmem:$0x350] =	vst v33  }
0x4e: {  	v35 =	vadd.s32 $0x1388000, v15;
	[tilespmem:$0x360] =	vst v34  }
0x4f: {  	v40 =	vadd.s32 $0x1770000, v12;
	[tilespmem:$0x370] =	vst v35  }
0x50: {  	v41 =	vadd.s32 $0x1770000, v13;
	[tilespmem:$0x3C0] =	vst v40  }
0x51: {  	v42 =	vadd.s32 $0x1770000, v14;
	[tilespmem:$0x3D0] =	vst v41  }
0x52: {  	v43 =	vadd.s32 $0x1770000, v15;
	[tilespmem:$0x3E0] =	vst v42  }
0x53: {  	v48 =	vadd.s32 $0x1B58000, v12;
	[tilespmem:$0x3F0] =	vst v43  }
0x54: {  	v49 =	vadd.s32 $0x1B58000, v13;
	[tilespmem:$0x440] =	vst v48  }
0x55: {  	v50 =	vadd.s32 $0x1B58000, v14;
	[tilespmem:$0x450] =	vst v49  }
0x56: {  	v51 =	vadd.s32 $0x1B58000, v15;
	[tilespmem:$0x460] =	vst v50  }
0x57: {  	v44 =	vadd.s32 $0x1B58000, v8;
	[tilespmem:$0x470] =	vst v51  }
0x58: {  	v45 =	vadd.s32 $0x1B58000, v9;
	[tilespmem:$0x400] =	vst v44  }
0x59: {  	v46 =	vadd.s32 $0x1B58000, v10;
	[tilespmem:$0x410] =	vst v45  }
0x5a: {  	v47 =	vadd.s32 $0x1B58000, v11;
	[tilespmem:$0x420] =	vst v46  }
0x5b: {  	[tilespmem:$0x430] =	vst v47  }
0x5c: {  	v52 =	vadd.s32 $0x1F40000, v8;
	[tilespmem:s11], [sflag:$0x1] =	stream.indirect.gather [hbm4b:s1+s9], $0x1, s10, s9, $0xb8;
	[tilespmem:$0x1080] =	vst v63  }
0x5d: {  	v53 =	vadd.s32 $0x1F40000, v9;
	[tilespmem:$0x480] =	vst v52  }
0x5e: {  	v54 =	vadd.s32 $0x1F40000, v10;
	[tilespmem:$0x490] =	vst v53  }
0x5f: {  	v55 =	vadd.s32 $0x1F40000, v11;
	[tilespmem:$0x4A0] =	vst v54  }
0x60: {  	v56 =	vadd.s32 $0x1F40000, v12;
	[tilespmem:$0x4B0] =	vst v55  }
0x61: {  	v57 =	vadd.s32 $0x1F40000, v13;
	[tilespmem:$0x4C0] =	vst v56  }
0x62: {  	v58 =	vadd.s32 $0x1F40000, v14;
	[tilespmem:$0x4D0] =	vst v57  }
0x63: {  	v59 =	vadd.s32 $0x1F40000, v15;
	[tilespmem:$0x4E0] =	vst v58  }
0x64: {  	v60 =	vadd.s32 $0x2328000, v8;
	[tilespmem:$0x4F0] =	vst v59  }
0x65: {  	v61 =	vadd.s32 $0x2328000, v9;
	[tilespmem:$0x500] =	vst v60  }
0x66: {  	v62 =	vadd.s32 $0x2328000, v10;
	[tilespmem:$0x510] =	vst v61  }
0x67: {  	v63 =	vadd.s32 $0x2328000, v11;
	[tilespmem:$0x520] =	vst v62  }
0x68: {  	v20 =	vadd.s32 $0x2328000, v12;
	[tilespmem:$0x530] =	vst v63  }
0x69: {  	v21 =	vadd.s32 $0x2328000, v13;
	[tilespmem:$0x540] =	vst v20  }
0x6a: {  	v22 =	vadd.s32 $0x2328000, v14;
	[tilespmem:$0x550] =	vst v21  }
0x6b: {  	v23 =	vadd.s32 $0x2328000, v15;
	[tilespmem:$0x560] =	vst v22  }
0x6c: {  	v24 =	vadd.s32 $0x2710000, v8;
	[tilespmem:$0x570] =	vst v23  }
0x6d: {  	v25 =	vadd.s32 $0x2710000, v9;
	[tilespmem:$0x580] =	vst v24  }
0x6e: {  	v26 =	vadd.s32 $0x2710000, v10;
	[tilespmem:$0x590] =	vst v25  }
0x6f: {  	v27 =	vadd.s32 $0x2710000, v11;
	[tilespmem:$0x5A0] =	vst v26  }
0x70: {  	v28 =	vadd.s32 $0x2710000, v12;
	[tilespmem:$0x5B0] =	vst v27  }
0x71: {  	v29 =	vadd.s32 $0x2710000, v13;
	[tilespmem:$0x5C0] =	vst v28  }
0x72: {  	v30 =	vadd.s32 $0x2710000, v14;
	[tilespmem:$0x5D0] =	vst v29  }
0x73: {  	v31 =	vadd.s32 $0x2710000, v15;
	[tilespmem:$0x5E0] =	vst v30  }
0x74: {  	v32 =	vadd.s32 $0x2AF8000, v8;
	[tilespmem:$0x5F0] =	vst v31  }
0x75: {  	v33 =	vadd.s32 $0x2AF8000, v9;
	[tilespmem:$0x600] =	vst v32  }
0x76: {  	v34 =	vadd.s32 $0x2AF8000, v10;
	[tilespmem:$0x610] =	vst v33  }
0x77: {  	v35 =	vadd.s32 $0x2AF8000, v11;
	[tilespmem:$0x620] =	vst v34  }
0x78: {  	v36 =	vadd.s32 $0x2AF8000, v12;
	[tilespmem:$0x630] =	vst v35  }
0x79: {  	v37 =	vadd.s32 $0x2AF8000, v13;
	[tilespmem:$0x640] =	vst v36  }
0x7a: {  	v38 =	vadd.s32 $0x2AF8000, v14;
	[tilespmem:$0x650] =	vst v37  }
0x7b: {  	v39 =	vadd.s32 $0x2AF8000, v15;
	[tilespmem:$0x660] =	vst v38  }
0x7c: {  	v40 =	vadd.s32 $0x2EE0000, v8;
	[tilespmem:$0x670] =	vst v39  }
0x7d: {  	v41 =	vadd.s32 $0x2EE0000, v9;
	[tilespmem:$0x680] =	vst v40  }
0x7e: {  	v42 =	vadd.s32 $0x2EE0000, v10;
	[tilespmem:$0x690] =	vst v41  }
0x7f: {  	v43 =	vadd.s32 $0x2EE0000, v11;
	[tilespmem:$0x6A0] =	vst v42  }
0x80: {  	v44 =	vadd.s32 $0x2EE0000, v12;
	[tilespmem:$0x6B0] =	vst v43  }
0x81: {  	v45 =	vadd.s32 $0x2EE0000, v13;
	[tilespmem:$0x6C0] =	vst v44  }
0x82: {  	v46 =	vadd.s32 $0x2EE0000, v14;
	[tilespmem:$0x6D0] =	vst v45  }
0x83: {  	v47 =	vadd.s32 $0x2EE0000, v15;
	[tilespmem:$0x6E0] =	vst v46  }
0x84: {  	v48 =	vadd.s32 $0x32C8000, v8;
	[tilespmem:$0x6F0] =	vst v47  }
0x85: {  	v49 =	vadd.s32 $0x32C8000, v9;
	[tilespmem:$0x700] =	vst v48  }
0x86: {  	v50 =	vadd.s32 $0x32C8000, v10;
	[tilespmem:$0x710] =	vst v49  }
0x87: {  	v51 =	vadd.s32 $0x32C8000, v11;
	[tilespmem:$0x720] =	vst v50  }
0x88: {  	[tilespmem:$0x730] =	vst v51;
	v52 =	vadd.s32 $0x32C8000, v12  }
0x89: {  	v53 =	vadd.s32 $0x32C8000, v13;
	[tilespmem:$0x740] =	vst v52  }
0x8a: {  	v54 =	vadd.s32 $0x32C8000, v14;
	[tilespmem:$0x750] =	vst v53  }
0x8b: {  	v55 =	vadd.s32 $0x32C8000, v15;
	[tilespmem:$0x760] =	vst v54  }
0x8c: {  	v56 =	vadd.s32 $0x36B0000, v8;
	[tilespmem:$0x770] =	vst v55  }
0x8d: {  	v57 =	vadd.s32 $0x36B0000, v9;
	[tilespmem:$0x780] =	vst v56  }
0x8e: {  	v58 =	vadd.s32 $0x36B0000, v10;
	[tilespmem:$0x790] =	vst v57  }
0x8f: {  	v59 =	vadd.s32 $0x36B0000, v11;
	[tilespmem:$0x7A0] =	vst v58  }
0x90: {  	v60 =	vadd.s32 $0x36B0000, v12;
	[tilespmem:$0x7B0] =	vst v59  }
0x91: {  	v61 =	vadd.s32 $0x36B0000, v13;
	[tilespmem:$0x7C0] =	vst v60  }
0x92: {  	v62 =	vadd.s32 $0x36B0000, v14;
	[tilespmem:$0x7D0] =	vst v61  }
0x93: {  	v63 =	vadd.s32 $0x36B0000, v15;
	[tilespmem:$0x7E0] =	vst v62  }
0x94: {  	v8 =	vadd.s32 $0x3A98000, v8;
	[tilespmem:$0x7F0] =	vst v63  }
0x95: {  	[tilespmem:$0x800] =	vst v8;
	v8 =	vadd.s32 $0x3A98000, v9  }
0x96: {  	[tilespmem:$0x810] =	vst v8;
	v8 =	vadd.s32 $0x3A98000, v10  }
0x97: {  	[tilespmem:$0x820] =	vst v8;
	v8 =	vadd.s32 $0x3A98000, v11  }
0x98: {  	[tilespmem:$0x830] =	vst v8;
	v8 =	vadd.s32 $0x3A98000, v12  }
0x99: {  	[tilespmem:$0x840] =	vst v8;
	v8 =	vadd.s32 $0x3A98000, v13  }
0x9a: {  	[tilespmem:$0x850] =	vst v8;
	v8 =	vadd.s32 $0x3A98000, v14  }
0x9b: {  	[tilespmem:$0x860] =	vst v8;
	v8 =	vadd.s32 $0x3A98000, v15  }
0x9c: {  	[tilespmem:$0x870] =	vst v8  }
0x9d: {  	[tilespmem:s13], [sflag:$0x2] =	stream.indirect.gather [hbm4b:s1+s9], $0x1, s12, s9, $0xb8;
	[tilespmem:$0x1080] =	vst v63  }
0x9e: {  	_ =	swait.ge [sflag:s14], $0x400  }
0x9f: {  	[sflag:s14] =	ssyncset.done $0x0  }
0xa0: {  	[sflag:s14] =	ssyncadd.s32 $0xFFFFFC00  }
0xa1: {  	[hbm4b:s5+s3] =	stream.linear.scatter [tilespmem:s11], [sflag:$0x3], $0x400, $0x38;
	[tilespmem:$0x1080] =	vst v63  }
0xa2: {  	_ =	swait.ge [sflag:s15], $0x400  }
0xa3: {  	[sflag:s15] =	ssyncset.done $0x0  }
0xa4: {  	[sflag:s15] =	ssyncadd.s32 $0xFFFFFC00  }
0xa5: {  	[hbm4b:s6+s3] =	stream.linear.scatter [tilespmem:s13], [sflag:$0x3], $0x400, $0x38;
	[tilespmem:$0x1080] =	vst v63  }
0xa6: {  	p0 =	sne.s32 s7, $0x1;
	_ =	swait.ge [sflag:s16], $0x400  }
.Ltmp0:
0xa7: {  	[sflag:s16] =	ssyncset.done $0x0;
	(pc) =	sbr.rel @p0 .LBB2_1-.Ltmp0, $4  }
0xa8: {  	[sflag:s16] =	ssyncadd.s32 $0xFFFFFC00  }
0xa9: {  	_ =	swait.ge [sflag:s16], $0x400  }
0xaa: {  	[sflag:s16] =	ssyncset.done $0x0  }
0xab: {  	s7 =	sadd.s32 $0xFFFFFFFF, s7;
	[sflag:s16] =	ssyncadd.s32 $0xFFFFFC00  }
0xac: {  	_ =	sfence.sel $0x180000  }
0xad: {  	[bflag:$0x0] =	sbarrier.arrive $0xFFFF  }
0xae: {  	p0 =	sne.s32 s2, $0x0;
	_ =	strace $0x90000047  }
0xaf: {  	s0 =	sadd.s32 @!p0 $0x100000, s0;
	[bflag:$0x2] =	sbarrier.arrive $0xFFFF  }
0xb0: {  	[sflag:s0] =	ssyncadd.tile.s32 @!p0 $0x1;
	_ =	shalt  }
.Lfunc_end2:
_tile_overlayer_lowered:
.L_overlay_start_2:
0xb1: {  	(tag) =	ssettag $0x2  }
0xb2: {  	s0 =	rddreg [dreg:$0x0];
	s2 =	stileid.u32  }
0xb3: {  	s1 =	rddreg [dreg:$0x1];
	p0 =	sne.s32 s2, $0x0  }
0xb4: {  	s3 =	rddreg [dreg:$0x2];
	[bflag:$0x3] =	sbarrier.arrive $0xFFFF;
	s2 =	simm.s32 @!p0 $0x1C04  }
0xb5: {  	[timem:s3], [sflag:s2] =	dma.local @!p0 [hbm:s0], s1  }
0xb6: {  	s0 =	simm.s32 @!p0 $0x4  }
0xb7: {  	_ =	swait.ge @!p0 [sflag:s0], s1  }
0xb8: {  	s1 =	ssub.s32 @!p0 $0x0, s1;
	[sflag:s0] =	ssyncset.done @!p0 $0x0  }
0xb9: {  	[sflag:s0] =	ssyncadd.s32 @!p0 s1  }
0xba: {  	[bflag:$0x3] =	sbarrier.arrive $0xFFFF  }
0xbb: {  	_ =	shalt  }

</sc_bundles>
